<compile_context>
chip_gen: v7x
topology: tpu7x:2x2x1
jax: 0.10.2.dev20260603
libtpu: 0.0.44.dev20260713+nightly
codegen_flags: <defaults>
</compile_context>

<pallas_src>
import functools

import jax
import jax.numpy as jnp
from jax import lax
from jax.experimental import pallas as pl
from jax.experimental.pallas import tpu as pltpu
from jax.experimental.pallas import tpu_sc as plsc

B, C, H, W = 4, 19, 512, 512
NPIX = B * H * W
K_BINS = 512
SLOTS = 2 * K_BINS
HIST = C * SLOTS
BANKS = 4
NC, NS = 2, 16
NW = NC * NS
TOTAL = C * NPIX
TOTALW = TOTAL // 2
PER_TILE = TOTALW // NW
CHUNK = 8192
NCHUNKS = PER_TILE // CHUNK
HB = 64


def _phase1_body(logits_ref, tgt_ref, out_ref):
    l = logits_ref[...]
    t = tgt_ref[...]
    m = jnp.max(l, axis=1, keepdims=True)
    e = jnp.exp(l - m)
    recip = K_BINS / jnp.sum(e, axis=1, keepdims=True)
    tq = e * recip
    cls = lax.broadcasted_iota(jnp.int32, (1, C, HB, W), 1)
    pos = t[:, None, :, :] == cls
    u = jnp.where(pos, 2.0 * K_BINS - tq, tq)
    pos_i = pos.astype(jnp.int32)
    slot = jnp.minimum(u.astype(jnp.int32), pos_i * K_BINS + (K_BINS - 1))
    a = cls * SLOTS + slot
    out_ref[...] = a[:, :, :HB // 2, :] | (a[:, :, HB // 2:, :] << 16)


def _phase1(logits, targets):
    return pl.pallas_call(
        _phase1_body,
        grid=(B, H // HB),
        in_specs=[
            pl.BlockSpec((1, C, HB, W), lambda b, h: (b, 0, h, 0)),
            pl.BlockSpec((1, HB, W), lambda b, h: (b, h, 0)),
        ],
        out_specs=pl.BlockSpec((1, C, HB // 2, W), lambda b, h: (b, 0, h, 0)),
        out_shape=jax.ShapeDtypeStruct((B, C, H // 2, W), jnp.int32),
    )(logits, targets)


UNROLL = 8


def _phase2_body(addr_hbm, out_hbm, h0, h1, h2, h3, stage0, stage1,
                 sem0, sem1):
    wid = lax.axis_index("s") * NC + lax.axis_index("c")
    base = wid * PER_TILE
    banks = (h0, h1, h2, h3)
    stages = (stage0, stage1)
    sems = (sem0, sem1)

    zeros = jnp.zeros((16,), jnp.float32)

    def zbody(i, carry):
        for hb in banks:
            hb[pl.ds(i * 16, 16)] = zeros
        return carry

    lax.fori_loop(0, HIST // 16, zbody, 0)

    ones = jnp.ones((16,), jnp.float32)

    def start_dma(k, b):
        return pltpu.async_copy(
            addr_hbm.at[pl.ds(base + k * CHUNK, CHUNK)], stages[b], sems[b])

    start_dma(0, 0)

    def outer(g, carry):
        for b in range(2):
            k = g * 2 + b
            pltpu.make_async_copy(
                addr_hbm.at[pl.ds(base, CHUNK)], stages[b], sems[b]).wait()

            @pl.when(k + 1 < NCHUNKS)
            def _():
                start_dma(k + 1, 1 - b)

            stage = stages[b]

            def ibody(i, c2):
                for u in range(UNROLL):
                    w = stage[pl.ds((i * UNROLL + u) * 16, 16)]
                    lo = w & 0xFFFF
                    hi = w >> 16
                    plsc.addupdate_scatter(banks[(2 * u) % BANKS], [lo], ones)
                    plsc.addupdate_scatter(
                        banks[(2 * u + 1) % BANKS], [hi], ones)
                return c2

            lax.fori_loop(0, CHUNK // (16 * UNROLL), ibody, 0)
        return carry

    lax.fori_loop(0, NCHUNKS // 2, outer, 0)

    def mbody(i, carry):
        sl = pl.ds(i * 16, 16)
        h0[sl] = (h0[sl] + h1[sl]) + (h2[sl] + h3[sl])
        return carry

    lax.fori_loop(0, HIST // 16, mbody, 0)

    pltpu.sync_copy(h0, out_hbm.at[wid])


@functools.cache
def _phase2():
    return pl.kernel(
        _phase2_body,
        mesh=plsc.VectorSubcoreMesh(
            core_axis_name="c", subcore_axis_name="s", num_cores=NC,
            num_subcores=NS),
        out_type=jax.ShapeDtypeStruct((NW, HIST), jnp.float32),
        compiler_params=pltpu.CompilerParams(needs_layout_passes=False),
        scratch_types=[
            pltpu.VMEM((HIST,), jnp.float32),
            pltpu.VMEM((HIST,), jnp.float32),
            pltpu.VMEM((HIST,), jnp.float32),
            pltpu.VMEM((HIST,), jnp.float32),
            pltpu.VMEM((CHUNK,), jnp.int32),
            pltpu.VMEM((CHUNK,), jnp.int32),
            pltpu.SemaphoreType.DMA,
            pltpu.SemaphoreType.DMA,
        ],
    )


def _cumsum_lanes(x):
    n = x.shape[-1]
    k = 1
    while k < n:
        shifted = jnp.concatenate(
            [jnp.zeros(x.shape[:-1] + (k,), x.dtype), x[..., :-k]], axis=-1)
        x = x + shifted
        k *= 2
    return x


def _phase3_body(part_ref, out_ref):
    hs = jnp.sum(part_ref[...], axis=0)
    m = hs[:, :K_BINS] + hs[:, K_BINS:]
    q = hs[:, K_BINS:]
    cm = _cumsum_lanes(m)
    sq = _cumsum_lanes(q)
    ntot = cm[:, K_BINS - 1:K_BINS]
    p_tot = sq[:, K_BINS - 1:K_BINS]
    n_gt = ntot - cm
    n_ge = n_gt + m
    s_gt = p_tot - sq
    s_ge = s_gt + q
    j_ge = jnp.where(n_ge > 0, n_ge / (p_tot + n_ge - s_ge), 0.0)
    j_gt = jnp.where(n_gt > 0, n_gt / (p_tot + n_gt - s_gt), 0.0)
    v = (lax.broadcasted_iota(jnp.int32, (C, K_BINS), 1).astype(jnp.float32)
         + 0.5) / K_BINS
    loss_c = jnp.sum(v * (j_ge - j_gt), axis=1, keepdims=True)
    present = (p_tot > 0).astype(jnp.float32)
    total = jnp.sum(jnp.where(p_tot > 0, loss_c, 0.0), axis=0, keepdims=True)
    n_pres = jnp.sum(present, axis=0, keepdims=True)
    out_ref[...] = jnp.where(
        n_pres > 0, total / jnp.maximum(n_pres, 1.0), 0.0)


def _phase3(partials):
    return pl.pallas_call(
        _phase3_body,
        out_shape=jax.ShapeDtypeStruct((1, 1), jnp.float32),
    )(partials)


def kernel(logits, targets):
    addr = _phase1(logits, targets.astype(jnp.int32))
    partials = _phase2()(addr.reshape(-1))
    return _phase3(partials.reshape(NW, C, SLOTS))[0, 0]

# --- scband reference (transcript-rebuilt; emitter-appended) ---
"""Pipeline reference for scband-lovasz-softmax-loss-30124900614550 (READ-ONLY COPY).

The authoritative reference and input builder live on the scoring server;
editing this copy changes nothing except your own understanding.
"""

import jax, jax.numpy as jnp
import numpy as np


def lovasz_grad(gt_sorted):
    gts = gt_sorted.sum()
    intersection = gts - jnp.cumsum(gt_sorted, 0)
    union = gts + jnp.cumsum(1.0 - gt_sorted, 0)
    jaccard = 1.0 - intersection / union
    jaccard = jnp.concatenate([jaccard[:1], jaccard[1:] - jaccard[:-1]])
    return jaccard


def setup_inputs(seed: int = 0):
    key = jax.random.key(seed)
    k1, k2 = jax.random.split(key)
    logits = jax.random.normal(k1, (4, 19, 512, 512), dtype=jnp.float32)
    targets = jax.random.randint(k2, (4, 512, 512), 0, 19).astype(jnp.int64)
    return {"logits": logits, "targets": targets}


def reference(logits, targets):
    # ignore_index = -100: targets are drawn in [0, C) so the valid mask is
    # all-True; the data-dependent boolean filter reduces to identity here.
    probas = jax.nn.softmax(logits, axis=1)
    B, C, H, W = probas.shape
    probas = jnp.transpose(probas, (0, 2, 3, 1)).reshape(-1, C)
    targets = targets.reshape(-1)
    losses = []
    presents = []
    for c in range(C):
        target_c = (targets == c).astype(jnp.float32)
        present = target_c.sum() > 0
        proba_c = probas[:, c]
        errors = jnp.abs(target_c - proba_c)
        perm = jnp.argsort(-errors)  # descending sort of errors
        errors_sorted = errors[perm]
        target_c_sorted = target_c[perm]
        g = lovasz_grad(target_c_sorted)
        loss_c = jnp.dot(errors_sorted, g)
        losses.append(jnp.where(present, loss_c, 0.0))
        presents.append(present.astype(jnp.float32))
    n = jnp.sum(jnp.stack(presents))
    total = jnp.sum(jnp.stack(losses))
    return jnp.where(n > 0, total / jnp.maximum(n, 1.0), 0.0)

if __name__ == "__main__":
    import jax
    _d = setup_inputs()
    print(jax.jit(kernel)(*tuple(_d.values())))

</pallas_src>

<mosaic_0001>
#map = affine_map<(d0, d1) -> (0)>
#map1 = affine_map<(d0, d1) -> (0, 0)>
module attributes {stable_mosaic.version = 14 : i64} {
  func.func @_phase2_body(%arg0: i32, %arg1: i32, %arg2: memref<9961472xi32, #tpu.memory_space<hbm>>, %arg3: memref<32x19456xf32, #tpu.memory_space<hbm>>, %arg4: memref<19456xf32, #tpu.memory_space<vmem>>, %arg5: memref<19456xf32, #tpu.memory_space<vmem>>, %arg6: memref<19456xf32, #tpu.memory_space<vmem>>, %arg7: memref<19456xf32, #tpu.memory_space<vmem>>, %arg8: memref<8192xi32, #tpu.memory_space<vmem>>, %arg9: memref<8192xi32, #tpu.memory_space<vmem>>, %arg10: memref<!tpu.dma_semaphore, #tpu.memory_space<semaphore_mem>>, %arg11: memref<!tpu.dma_semaphore, #tpu.memory_space<semaphore_mem>>) attributes {dimension_semantics = [#tpu.dimension_semantics<core_parallel>, #tpu.dimension_semantics<subcore_parallel>], iteration_bounds = array<i64: 2, 16>, scalar_prefetch = 0 : i64, scratch_operands = 8 : i64, tpu.core_type = #tpu.core_type<sc_vector_subcore>, window_params = [{transform_indices = #map}, {transform_indices = #map1}]} {
    %mul3A = arith.constant 2 : i32
    %mul3A_0 = arith.muli %arg1, %mul3A : i32
    %add3A = arith.addi %mul3A_0, %arg0 : i32
    %mul3A_1 = arith.constant 311296 : i32
    %mul3A_2 = arith.muli %add3A, %mul3A_1 : i32
    %broadcast_in_dim3A = arith.constant 0.000000e+00 : f32
    %broadcast_in_dim3A_3 = vector.broadcast %broadcast_in_dim3A : f32 to vector<16xf32>
    %scan3A = arith.constant 0 : i32
    %scan3A_4 = arith.constant 0 : i32
    %scan3A_5 = arith.constant 1216 : i32
    %scan3A_6 = arith.addi %scan3A_4, %scan3A_5 : i32
    %scan3A_7 = arith.constant 1 : i32
    scf.for %scan3A_26 = %scan3A_4 to %scan3A_6 step %scan3A_7  : i32 {
      %mul3A_27 = arith.constant 16 : i32
      %mul3A_28 = arith.muli %scan3A_26, %mul3A_27 : i32
      %swap3A = arith.index_cast %mul3A_28 : i32 to index
      %swap3A_29 = tpu.vector_load %arg4[%swap3A] {strides = array<i32>} : memref<19456xf32, #tpu.memory_space<vmem>>, vector<16xf32>,
      tpu.vector_store %arg4[%swap3A], %broadcast_in_dim3A_3 {strides = array<i32>} : memref<19456xf32, #tpu.memory_space<vmem>>, vector<16xf32>,
      %mul3A_30 = arith.constant 16 : i32
      %mul3A_31 = arith.muli %scan3A_26, %mul3A_30 : i32
      %swap3A_32 = arith.index_cast %mul3A_31 : i32 to index
      %swap3A_33 = tpu.vector_load %arg5[%swap3A_32] {strides = array<i32>} : memref<19456xf32, #tpu.memory_space<vmem>>, vector<16xf32>,
      tpu.vector_store %arg5[%swap3A_32], %broadcast_in_dim3A_3 {strides = array<i32>} : memref<19456xf32, #tpu.memory_space<vmem>>, vector<16xf32>,
      %mul3A_34 = arith.constant 16 : i32
      %mul3A_35 = arith.muli %scan3A_26, %mul3A_34 : i32
      %swap3A_36 = arith.index_cast %mul3A_35 : i32 to index
      %swap3A_37 = tpu.vector_load %arg6[%swap3A_36] {strides = array<i32>} : memref<19456xf32, #tpu.memory_space<vmem>>, vector<16xf32>,
      tpu.vector_store %arg6[%swap3A_36], %broadcast_in_dim3A_3 {strides = array<i32>} : memref<19456xf32, #tpu.memory_space<vmem>>, vector<16xf32>,
      %mul3A_38 = arith.constant 16 : i32
      %mul3A_39 = arith.muli %scan3A_26, %mul3A_38 : i32
      %swap3A_40 = arith.index_cast %mul3A_39 : i32 to index
      %swap3A_41 = tpu.vector_load %arg7[%swap3A_40] {strides = array<i32>} : memref<19456xf32, #tpu.memory_space<vmem>>, vector<16xf32>,
      tpu.vector_store %arg7[%swap3A_40], %broadcast_in_dim3A_3 {strides = array<i32>} : memref<19456xf32, #tpu.memory_space<vmem>>, vector<16xf32>,
    }
    %scan3A_8 = arith.constant 1216 : i32
    %broadcast_in_dim3A_9 = arith.constant 1.000000e+00 : f32
    %broadcast_in_dim3A_10 = vector.broadcast %broadcast_in_dim3A_9 : f32 to vector<16xf32>
    %add3A_11 = arith.constant 0 : i32
    %add3A_12 = arith.addi %mul3A_2, %add3A_11 : i32
    %dma_start3A = tpu.memref_slice %arg2[%add3A_12] : memref<9961472xi32, #tpu.memory_space<hbm>> -> memref<8192xi32, #tpu.memory_space<hbm>>
    %dma_start3A_13 = tpu.memref_slice %arg2[%add3A_12] : memref<9961472xi32, #tpu.memory_space<hbm>> -> memref<8192xi32, #tpu.memory_space<hbm>>
    tpu.enqueue_dma source(%dma_start3A_13 : memref<8192xi32, #tpu.memory_space<hbm>>) target(%arg8 : memref<8192xi32, #tpu.memory_space<vmem>>) target_semaphore(%arg10 : memref<!tpu.dma_semaphore, #tpu.memory_space<semaphore_mem>>)
    %scan3A_14 = arith.constant 0 : i32
    %scan3A_15 = arith.constant 0 : i32
    %scan3A_16 = arith.constant 19 : i32
    %scan3A_17 = arith.addi %scan3A_15, %scan3A_16 : i32
    %scan3A_18 = arith.constant 1 : i32
    scf.for %scan3A_26 = %scan3A_15 to %scan3A_17 step %scan3A_18  : i32 {
      %mul3A_27 = arith.constant 2 : i32
      %mul3A_28 = arith.muli %scan3A_26, %mul3A_27 : i32
      %add3A_29 = arith.constant 0 : i32
      %add3A_30 = arith.addi %mul3A_28, %add3A_29 : i32
      %dma_wait3A = tpu.memref_slice %arg2[%mul3A_2] : memref<9961472xi32, #tpu.memory_space<hbm>> -> memref<8192xi32, #tpu.memory_space<hbm>>
      %dma_wait3A_31 = tpu.memref_slice %arg2[%mul3A_2] : memref<9961472xi32, #tpu.memory_space<hbm>> -> memref<8192xi32, #tpu.memory_space<hbm>>
      tpu.wait_dma2 semaphore(%arg10 : memref<!tpu.dma_semaphore, #tpu.memory_space<semaphore_mem>>) src(%dma_wait3A_31 : memref<8192xi32, #tpu.memory_space<hbm>>) dst(%arg8 : memref<8192xi32, #tpu.memory_space<vmem>>)
      %add3A_32 = arith.constant 1 : i32
      %add3A_33 = arith.addi %add3A_30, %add3A_32 : i32
      %lt3A = arith.constant 38 : i32
      %lt3A_34 = arith.cmpi slt, %add3A_33, %lt3A : i32
      %convert_element_type3A = arith.extui %lt3A_34 : i1 to i32
      %cond3A = arith.constant 0 : i32
      %cond3A_35 = arith.cmpi ne, %convert_element_type3A, %cond3A : i32
      scf.if %cond3A_35 {
        %add3A_61 = arith.constant 1 : i32
        %add3A_62 = arith.addi %add3A_30, %add3A_61 : i32
        %mul3A_63 = arith.constant 8192 : i32
        %mul3A_64 = arith.muli %add3A_62, %mul3A_63 : i32
        %add3A_65 = arith.addi %mul3A_2, %mul3A_64 : i32
        %dma_start3A_66 = tpu.memref_slice %arg2[%add3A_65] : memref<9961472xi32, #tpu.memory_space<hbm>> -> memref<8192xi32, #tpu.memory_space<hbm>>
        %dma_start3A_67 = tpu.memref_slice %arg2[%add3A_65] : memref<9961472xi32, #tpu.memory_space<hbm>> -> memref<8192xi32, #tpu.memory_space<hbm>>
        tpu.enqueue_dma source(%dma_start3A_67 : memref<8192xi32, #tpu.memory_space<hbm>>) target(%arg9 : memref<8192xi32, #tpu.memory_space<vmem>>) target_semaphore(%arg11 : memref<!tpu.dma_semaphore, #tpu.memory_space<semaphore_mem>>)
      } else {
      }
      %scan3A_36 = arith.constant 0 : i32
      %scan3A_37 = arith.constant 0 : i32
      %scan3A_38 = arith.constant 64 : i32
      %scan3A_39 = arith.addi %scan3A_37, %scan3A_38 : i32
      %scan3A_40 = arith.constant 1 : i32
      scf.for %scan3A_61 = %scan3A_37 to %scan3A_39 step %scan3A_40  : i32 {
        %mul3A_62 = arith.constant 8 : i32
        %mul3A_63 = arith.muli %scan3A_61, %mul3A_62 : i32
        %add3A_64 = arith.constant 0 : i32
        %add3A_65 = arith.addi %mul3A_63, %add3A_64 : i32
        %mul3A_66 = arith.constant 16 : i32
        %mul3A_67 = arith.muli %add3A_65, %mul3A_66 : i32
        %get3A = arith.index_cast %mul3A_67 : i32 to index
        %get3A_68 = tpu.vector_load %arg8[%get3A] {strides = array<i32>} : memref<8192xi32, #tpu.memory_space<vmem>>, vector<16xi32>,
        %and3A = arith.constant 65535 : i32
        %and3A_69 = vector.broadcast %and3A : i32 to vector<16xi32>
        %and3A_70 = arith.andi %get3A_68, %and3A_69 : vector<16xi32>
        %shift_right_arithmetic3A = arith.constant 16 : i32
        %shift_right_arithmetic3A_71 = vector.broadcast %shift_right_arithmetic3A : i32 to vector<16xi32>
        %shift_right_arithmetic3A_72 = arith.shrsi %get3A_68, %shift_right_arithmetic3A_71 : vector<16xi32>
        tpu.vector_store_idx %arg4[%and3A_70], %broadcast_in_dim3A_10 {add = true} : memref<19456xf32, #tpu.memory_space<vmem>>[vector<16xi32>], vector<16xf32>,
        tpu.vector_store_idx %arg5[%shift_right_arithmetic3A_72], %broadcast_in_dim3A_10 {add = true} : memref<19456xf32, #tpu.memory_space<vmem>>[vector<16xi32>], vector<16xf32>,
        %mul3A_73 = arith.constant 8 : i32
        %mul3A_74 = arith.muli %scan3A_61, %mul3A_73 : i32
        %add3A_75 = arith.constant 1 : i32
        %add3A_76 = arith.addi %mul3A_74, %add3A_75 : i32
        %mul3A_77 = arith.constant 16 : i32
        %mul3A_78 = arith.muli %add3A_76, %mul3A_77 : i32
        %get3A_79 = arith.index_cast %mul3A_78 : i32 to index
        %get3A_80 = tpu.vector_load %arg8[%get3A_79] {strides = array<i32>} : memref<8192xi32, #tpu.memory_space<vmem>>, vector<16xi32>,
        %and3A_81 = arith.constant 65535 : i32
        %and3A_82 = vector.broadcast %and3A_81 : i32 to vector<16xi32>
        %and3A_83 = arith.andi %get3A_80, %and3A_82 : vector<16xi32>
        %shift_right_arithmetic3A_84 = arith.constant 16 : i32
        %shift_right_arithmetic3A_85 = vector.broadcast %shift_right_arithmetic3A_84 : i32 to vector<16xi32>
        %shift_right_arithmetic3A_86 = arith.shrsi %get3A_80, %shift_right_arithmetic3A_85 : vector<16xi32>
        tpu.vector_store_idx %arg6[%and3A_83], %broadcast_in_dim3A_10 {add = true} : memref<19456xf32, #tpu.memory_space<vmem>>[vector<16xi32>], vector<16xf32>,
        tpu.vector_store_idx %arg7[%shift_right_arithmetic3A_86], %broadcast_in_dim3A_10 {add = true} : memref<19456xf32, #tpu.memory_space<vmem>>[vector<16xi32>], vector<16xf32>,
        %mul3A_87 = arith.constant 8 : i32
        %mul3A_88 = arith.muli %scan3A_61, %mul3A_87 : i32
        %add3A_89 = arith.constant 2 : i32
        %add3A_90 = arith.addi %mul3A_88, %add3A_89 : i32
        %mul3A_91 = arith.constant 16 : i32
        %mul3A_92 = arith.muli %add3A_90, %mul3A_91 : i32
        %get3A_93 = arith.index_cast %mul3A_92 : i32 to index
        %get3A_94 = tpu.vector_load %arg8[%get3A_93] {strides = array<i32>} : memref<8192xi32, #tpu.memory_space<vmem>>, vector<16xi32>,
        %and3A_95 = arith.constant 65535 : i32
        %and3A_96 = vector.broadcast %and3A_95 : i32 to vector<16xi32>
        %and3A_97 = arith.andi %get3A_94, %and3A_96 : vector<16xi32>
        %shift_right_arithmetic3A_98 = arith.constant 16 : i32
        %shift_right_arithmetic3A_99 = vector.broadcast %shift_right_arithmetic3A_98 : i32 to vector<16xi32>
        %shift_right_arithmetic3A_100 = arith.shrsi %get3A_94, %shift_right_arithmetic3A_99 : vector<16xi32>
        tpu.vector_store_idx %arg4[%and3A_97], %broadcast_in_dim3A_10 {add = true} : memref<19456xf32, #tpu.memory_space<vmem>>[vector<16xi32>], vector<16xf32>,
        tpu.vector_store_idx %arg5[%shift_right_arithmetic3A_100], %broadcast_in_dim3A_10 {add = true} : memref<19456xf32, #tpu.memory_space<vmem>>[vector<16xi32>], vector<16xf32>,
        %mul3A_101 = arith.constant 8 : i32
        %mul3A_102 = arith.muli %scan3A_61, %mul3A_101 : i32
        %add3A_103 = arith.constant 3 : i32
        %add3A_104 = arith.addi %mul3A_102, %add3A_103 : i32
        %mul3A_105 = arith.constant 16 : i32
        %mul3A_106 = arith.muli %add3A_104, %mul3A_105 : i32
        %get3A_107 = arith.index_cast %mul3A_106 : i32 to index
        %get3A_108 = tpu.vector_load %arg8[%get3A_107] {strides = array<i32>} : memref<8192xi32, #tpu.memory_space<vmem>>, vector<16xi32>,
        %and3A_109 = arith.constant 65535 : i32
        %and3A_110 = vector.broadcast %and3A_109 : i32 to vector<16xi32>
        %and3A_111 = arith.andi %get3A_108, %and3A_110 : vector<16xi32>
        %shift_right_arithmetic3A_112 = arith.constant 16 : i32
        %shift_right_arithmetic3A_113 = vector.broadcast %shift_right_arithmetic3A_112 : i32 to vector<16xi32>
        %shift_right_arithmetic3A_114 = arith.shrsi %get3A_108, %shift_right_arithmetic3A_113 : vector<16xi32>
        tpu.vector_store_idx %arg6[%and3A_111], %broadcast_in_dim3A_10 {add = true} : memref<19456xf32, #tpu.memory_space<vmem>>[vector<16xi32>], vector<16xf32>,
        tpu.vector_store_idx %arg7[%shift_right_arithmetic3A_114], %broadcast_in_dim3A_10 {add = true} : memref<19456xf32, #tpu.memory_space<vmem>>[vector<16xi32>], vector<16xf32>,
        %mul3A_115 = arith.constant 8 : i32
        %mul3A_116 = arith.muli %scan3A_61, %mul3A_115 : i32
        %add3A_117 = arith.constant 4 : i32
        %add3A_118 = arith.addi %mul3A_116, %add3A_117 : i32
        %mul3A_119 = arith.constant 16 : i32
        %mul3A_120 = arith.muli %add3A_118, %mul3A_119 : i32
        %get3A_121 = arith.index_cast %mul3A_120 : i32 to index
        %get3A_122 = tpu.vector_load %arg8[%get3A_121] {strides = array<i32>} : memref<8192xi32, #tpu.memory_space<vmem>>, vector<16xi32>,
        %and3A_123 = arith.constant 65535 : i32
        %and3A_124 = vector.broadcast %and3A_123 : i32 to vector<16xi32>
        %and3A_125 = arith.andi %get3A_122, %and3A_124 : vector<16xi32>
        %shift_right_arithmetic3A_126 = arith.constant 16 : i32
        %shift_right_arithmetic3A_127 = vector.broadcast %shift_right_arithmetic3A_126 : i32 to vector<16xi32>
        %shift_right_arithmetic3A_128 = arith.shrsi %get3A_122, %shift_right_arithmetic3A_127 : vector<16xi32>
        tpu.vector_store_idx %arg4[%and3A_125], %broadcast_in_dim3A_10 {add = true} : memref<19456xf32, #tpu.memory_space<vmem>>[vector<16xi32>], vector<16xf32>,
        tpu.vector_store_idx %arg5[%shift_right_arithmetic3A_128], %broadcast_in_dim3A_10 {add = true} : memref<19456xf32, #tpu.memory_space<vmem>>[vector<16xi32>], vector<16xf32>,
        %mul3A_129 = arith.constant 8 : i32
        %mul3A_130 = arith.muli %scan3A_61, %mul3A_129 : i32
        %add3A_131 = arith.constant 5 : i32
        %add3A_132 = arith.addi %mul3A_130, %add3A_131 : i32
        %mul3A_133 = arith.constant 16 : i32
        %mul3A_134 = arith.muli %add3A_132, %mul3A_133 : i32
        %get3A_135 = arith.index_cast %mul3A_134 : i32 to index
        %get3A_136 = tpu.vector_load %arg8[%get3A_135] {strides = array<i32>} : memref<8192xi32, #tpu.memory_space<vmem>>, vector<16xi32>,
        %and3A_137 = arith.constant 65535 : i32
        %and3A_138 = vector.broadcast %and3A_137 : i32 to vector<16xi32>
        %and3A_139 = arith.andi %get3A_136, %and3A_138 : vector<16xi32>
        %shift_right_arithmetic3A_140 = arith.constant 16 : i32
        %shift_right_arithmetic3A_141 = vector.broadcast %shift_right_arithmetic3A_140 : i32 to vector<16xi32>
        %shift_right_arithmetic3A_142 = arith.shrsi %get3A_136, %shift_right_arithmetic3A_141 : vector<16xi32>
        tpu.vector_store_idx %arg6[%and3A_139], %broadcast_in_dim3A_10 {add = true} : memref<19456xf32, #tpu.memory_space<vmem>>[vector<16xi32>], vector<16xf32>,
        tpu.vector_store_idx %arg7[%shift_right_arithmetic3A_142], %broadcast_in_dim3A_10 {add = true} : memref<19456xf32, #tpu.memory_space<vmem>>[vector<16xi32>], vector<16xf32>,
        %mul3A_143 = arith.constant 8 : i32
        %mul3A_144 = arith.muli %scan3A_61, %mul3A_143 : i32
        %add3A_145 = arith.constant 6 : i32
        %add3A_146 = arith.addi %mul3A_144, %add3A_145 : i32
        %mul3A_147 = arith.constant 16 : i32
        %mul3A_148 = arith.muli %add3A_146, %mul3A_147 : i32
        %get3A_149 = arith.index_cast %mul3A_148 : i32 to index
        %get3A_150 = tpu.vector_load %arg8[%get3A_149] {strides = array<i32>} : memref<8192xi32, #tpu.memory_space<vmem>>, vector<16xi32>,
        %and3A_151 = arith.constant 65535 : i32
        %and3A_152 = vector.broadcast %and3A_151 : i32 to vector<16xi32>
        %and3A_153 = arith.andi %get3A_150, %and3A_152 : vector<16xi32>
        %shift_right_arithmetic3A_154 = arith.constant 16 : i32
        %shift_right_arithmetic3A_155 = vector.broadcast %shift_right_arithmetic3A_154 : i32 to vector<16xi32>
        %shift_right_arithmetic3A_156 = arith.shrsi %get3A_150, %shift_right_arithmetic3A_155 : vector<16xi32>
        tpu.vector_store_idx %arg4[%and3A_153], %broadcast_in_dim3A_10 {add = true} : memref<19456xf32, #tpu.memory_space<vmem>>[vector<16xi32>], vector<16xf32>,
        tpu.vector_store_idx %arg5[%shift_right_arithmetic3A_156], %broadcast_in_dim3A_10 {add = true} : memref<19456xf32, #tpu.memory_space<vmem>>[vector<16xi32>], vector<16xf32>,
        %mul3A_157 = arith.constant 8 : i32
        %mul3A_158 = arith.muli %scan3A_61, %mul3A_157 : i32
        %add3A_159 = arith.constant 7 : i32
        %add3A_160 = arith.addi %mul3A_158, %add3A_159 : i32
        %mul3A_161 = arith.constant 16 : i32
        %mul3A_162 = arith.muli %add3A_160, %mul3A_161 : i32
        %get3A_163 = arith.index_cast %mul3A_162 : i32 to index
        %get3A_164 = tpu.vector_load %arg8[%get3A_163] {strides = array<i32>} : memref<8192xi32, #tpu.memory_space<vmem>>, vector<16xi32>,
        %and3A_165 = arith.constant 65535 : i32
        %and3A_166 = vector.broadcast %and3A_165 : i32 to vector<16xi32>
        %and3A_167 = arith.andi %get3A_164, %and3A_166 : vector<16xi32>
        %shift_right_arithmetic3A_168 = arith.constant 16 : i32
        %shift_right_arithmetic3A_169 = vector.broadcast %shift_right_arithmetic3A_168 : i32 to vector<16xi32>
        %shift_right_arithmetic3A_170 = arith.shrsi %get3A_164, %shift_right_arithmetic3A_169 : vector<16xi32>
        tpu.vector_store_idx %arg6[%and3A_167], %broadcast_in_dim3A_10 {add = true} : memref<19456xf32, #tpu.memory_space<vmem>>[vector<16xi32>], vector<16xf32>,
        tpu.vector_store_idx %arg7[%shift_right_arithmetic3A_170], %broadcast_in_dim3A_10 {add = true} : memref<19456xf32, #tpu.memory_space<vmem>>[vector<16xi32>], vector<16xf32>,
      }
      %scan3A_41 = arith.constant 64 : i32
      %mul3A_42 = arith.constant 2 : i32
      %mul3A_43 = arith.muli %scan3A_26, %mul3A_42 : i32
      %add3A_44 = arith.constant 1 : i32
      %add3A_45 = arith.addi %mul3A_43, %add3A_44 : i32
      %dma_wait3A_46 = tpu.memref_slice %arg2[%mul3A_2] : memref<9961472xi32, #tpu.memory_space<hbm>> -> memref<8192xi32, #tpu.memory_space<hbm>>
      %dma_wait3A_47 = tpu.memref_slice %arg2[%mul3A_2] : memref<9961472xi32, #tpu.memory_space<hbm>> -> memref<8192xi32, #tpu.memory_space<hbm>>
      tpu.wait_dma2 semaphore(%arg11 : memref<!tpu.dma_semaphore, #tpu.memory_space<semaphore_mem>>) src(%dma_wait3A_47 : memref<8192xi32, #tpu.memory_space<hbm>>) dst(%arg9 : memref<8192xi32, #tpu.memory_space<vmem>>)
      %add3A_48 = arith.constant 1 : i32
      %add3A_49 = arith.addi %add3A_45, %add3A_48 : i32
      %lt3A_50 = arith.constant 38 : i32
      %lt3A_51 = arith.cmpi slt, %add3A_49, %lt3A_50 : i32
      %convert_element_type3A_52 = arith.extui %lt3A_51 : i1 to i32
      %cond3A_53 = arith.constant 0 : i32
      %cond3A_54 = arith.cmpi ne, %convert_element_type3A_52, %cond3A_53 : i32
      scf.if %cond3A_54 {
        %add3A_61 = arith.constant 1 : i32
        %add3A_62 = arith.addi %add3A_45, %add3A_61 : i32
        %mul3A_63 = arith.constant 8192 : i32
        %mul3A_64 = arith.muli %add3A_62, %mul3A_63 : i32
        %add3A_65 = arith.addi %mul3A_2, %mul3A_64 : i32
        %dma_start3A_66 = tpu.memref_slice %arg2[%add3A_65] : memref<9961472xi32, #tpu.memory_space<hbm>> -> memref<8192xi32, #tpu.memory_space<hbm>>
        %dma_start3A_67 = tpu.memref_slice %arg2[%add3A_65] : memref<9961472xi32, #tpu.memory_space<hbm>> -> memref<8192xi32, #tpu.memory_space<hbm>>
        tpu.enqueue_dma source(%dma_start3A_67 : memref<8192xi32, #tpu.memory_space<hbm>>) target(%arg8 : memref<8192xi32, #tpu.memory_space<vmem>>) target_semaphore(%arg10 : memref<!tpu.dma_semaphore, #tpu.memory_space<semaphore_mem>>)
      } else {
      }
      %scan3A_55 = arith.constant 0 : i32
      %scan3A_56 = arith.constant 0 : i32
      %scan3A_57 = arith.constant 64 : i32
      %scan3A_58 = arith.addi %scan3A_56, %scan3A_57 : i32
      %scan3A_59 = arith.constant 1 : i32
      scf.for %scan3A_61 = %scan3A_56 to %scan3A_58 step %scan3A_59  : i32 {
        %mul3A_62 = arith.constant 8 : i32
        %mul3A_63 = arith.muli %scan3A_61, %mul3A_62 : i32
        %add3A_64 = arith.constant 0 : i32
        %add3A_65 = arith.addi %mul3A_63, %add3A_64 : i32
        %mul3A_66 = arith.constant 16 : i32
        %mul3A_67 = arith.muli %add3A_65, %mul3A_66 : i32
        %get3A = arith.index_cast %mul3A_67 : i32 to index
        %get3A_68 = tpu.vector_load %arg9[%get3A] {strides = array<i32>} : memref<8192xi32, #tpu.memory_space<vmem>>, vector<16xi32>,
        %and3A = arith.constant 65535 : i32
        %and3A_69 = vector.broadcast %and3A : i32 to vector<16xi32>
        %and3A_70 = arith.andi %get3A_68, %and3A_69 : vector<16xi32>
        %shift_right_arithmetic3A = arith.constant 16 : i32
        %shift_right_arithmetic3A_71 = vector.broadcast %shift_right_arithmetic3A : i32 to vector<16xi32>
        %shift_right_arithmetic3A_72 = arith.shrsi %get3A_68, %shift_right_arithmetic3A_71 : vector<16xi32>
        tpu.vector_store_idx %arg4[%and3A_70], %broadcast_in_dim3A_10 {add = true} : memref<19456xf32, #tpu.memory_space<vmem>>[vector<16xi32>], vector<16xf32>,
        tpu.vector_store_idx %arg5[%shift_right_arithmetic3A_72], %broadcast_in_dim3A_10 {add = true} : memref<19456xf32, #tpu.memory_space<vmem>>[vector<16xi32>], vector<16xf32>,
        %mul3A_73 = arith.constant 8 : i32
        %mul3A_74 = arith.muli %scan3A_61, %mul3A_73 : i32
        %add3A_75 = arith.constant 1 : i32
        %add3A_76 = arith.addi %mul3A_74, %add3A_75 : i32
        %mul3A_77 = arith.constant 16 : i32
        %mul3A_78 = arith.muli %add3A_76, %mul3A_77 : i32
        %get3A_79 = arith.index_cast %mul3A_78 : i32 to index
        %get3A_80 = tpu.vector_load %arg9[%get3A_79] {strides = array<i32>} : memref<8192xi32, #tpu.memory_space<vmem>>, vector<16xi32>,
        %and3A_81 = arith.constant 65535 : i32
        %and3A_82 = vector.broadcast %and3A_81 : i32 to vector<16xi32>
        %and3A_83 = arith.andi %get3A_80, %and3A_82 : vector<16xi32>
        %shift_right_arithmetic3A_84 = arith.constant 16 : i32
        %shift_right_arithmetic3A_85 = vector.broadcast %shift_right_arithmetic3A_84 : i32 to vector<16xi32>
        %shift_right_arithmetic3A_86 = arith.shrsi %get3A_80, %shift_right_arithmetic3A_85 : vector<16xi32>
        tpu.vector_store_idx %arg6[%and3A_83], %broadcast_in_dim3A_10 {add = true} : memref<19456xf32, #tpu.memory_space<vmem>>[vector<16xi32>], vector<16xf32>,
        tpu.vector_store_idx %arg7[%shift_right_arithmetic3A_86], %broadcast_in_dim3A_10 {add = true} : memref<19456xf32, #tpu.memory_space<vmem>>[vector<16xi32>], vector<16xf32>,
        %mul3A_87 = arith.constant 8 : i32
        %mul3A_88 = arith.muli %scan3A_61, %mul3A_87 : i32
        %add3A_89 = arith.constant 2 : i32
        %add3A_90 = arith.addi %mul3A_88, %add3A_89 : i32
        %mul3A_91 = arith.constant 16 : i32
        %mul3A_92 = arith.muli %add3A_90, %mul3A_91 : i32
        %get3A_93 = arith.index_cast %mul3A_92 : i32 to index
        %get3A_94 = tpu.vector_load %arg9[%get3A_93] {strides = array<i32>} : memref<8192xi32, #tpu.memory_space<vmem>>, vector<16xi32>,
        %and3A_95 = arith.constant 65535 : i32
        %and3A_96 = vector.broadcast %and3A_95 : i32 to vector<16xi32>
        %and3A_97 = arith.andi %get3A_94, %and3A_96 : vector<16xi32>
        %shift_right_arithmetic3A_98 = arith.constant 16 : i32
        %shift_right_arithmetic3A_99 = vector.broadcast %shift_right_arithmetic3A_98 : i32 to vector<16xi32>
        %shift_right_arithmetic3A_100 = arith.shrsi %get3A_94, %shift_right_arithmetic3A_99 : vector<16xi32>
        tpu.vector_store_idx %arg4[%and3A_97], %broadcast_in_dim3A_10 {add = true} : memref<19456xf32, #tpu.memory_space<vmem>>[vector<16xi32>], vector<16xf32>,
        tpu.vector_store_idx %arg5[%shift_right_arithmetic3A_100], %broadcast_in_dim3A_10 {add = true} : memref<19456xf32, #tpu.memory_space<vmem>>[vector<16xi32>], vector<16xf32>,
        %mul3A_101 = arith.constant 8 : i32
        %mul3A_102 = arith.muli %scan3A_61, %mul3A_101 : i32
        %add3A_103 = arith.constant 3 : i32
        %add3A_104 = arith.addi %mul3A_102, %add3A_103 : i32
        %mul3A_105 = arith.constant 16 : i32
        %mul3A_106 = arith.muli %add3A_104, %mul3A_105 : i32
        %get3A_107 = arith.index_cast %mul3A_106 : i32 to index
        %get3A_108 = tpu.vector_load %arg9[%get3A_107] {strides = array<i32>} : memref<8192xi32, #tpu.memory_space<vmem>>, vector<16xi32>,
        %and3A_109 = arith.constant 65535 : i32
        %and3A_110 = vector.broadcast %and3A_109 : i32 to vector<16xi32>
        %and3A_111 = arith.andi %get3A_108, %and3A_110 : vector<16xi32>
        %shift_right_arithmetic3A_112 = arith.constant 16 : i32
        %shift_right_arithmetic3A_113 = vector.broadcast %shift_right_arithmetic3A_112 : i32 to vector<16xi32>
        %shift_right_arithmetic3A_114 = arith.shrsi %get3A_108, %shift_right_arithmetic3A_113 : vector<16xi32>
        tpu.vector_store_idx %arg6[%and3A_111], %broadcast_in_dim3A_10 {add = true} : memref<19456xf32, #tpu.memory_space<vmem>>[vector<16xi32>], vector<16xf32>,
        tpu.vector_store_idx %arg7[%shift_right_arithmetic3A_114], %broadcast_in_dim3A_10 {add = true} : memref<19456xf32, #tpu.memory_space<vmem>>[vector<16xi32>], vector<16xf32>,
        %mul3A_115 = arith.constant 8 : i32
        %mul3A_116 = arith.muli %scan3A_61, %mul3A_115 : i32
        %add3A_117 = arith.constant 4 : i32
        %add3A_118 = arith.addi %mul3A_116, %add3A_117 : i32
        %mul3A_119 = arith.constant 16 : i32
        %mul3A_120 = arith.muli %add3A_118, %mul3A_119 : i32
        %get3A_121 = arith.index_cast %mul3A_120 : i32 to index
        %get3A_122 = tpu.vector_load %arg9[%get3A_121] {strides = array<i32>} : memref<8192xi32, #tpu.memory_space<vmem>>, vector<16xi32>,
        %and3A_123 = arith.constant 65535 : i32
        %and3A_124 = vector.broadcast %and3A_123 : i32 to vector<16xi32>
        %and3A_125 = arith.andi %get3A_122, %and3A_124 : vector<16xi32>
        %shift_right_arithmetic3A_126 = arith.constant 16 : i32
        %shift_right_arithmetic3A_127 = vector.broadcast %shift_right_arithmetic3A_126 : i32 to vector<16xi32>
        %shift_right_arithmetic3A_128 = arith.shrsi %get3A_122, %shift_right_arithmetic3A_127 : vector<16xi32>
        tpu.vector_store_idx %arg4[%and3A_125], %broadcast_in_dim3A_10 {add = true} : memref<19456xf32, #tpu.memory_space<vmem>>[vector<16xi32>], vector<16xf32>,
        tpu.vector_store_idx %arg5[%shift_right_arithmetic3A_128], %broadcast_in_dim3A_10 {add = true} : memref<19456xf32, #tpu.memory_space<vmem>>[vector<16xi32>], vector<16xf32>,
        %mul3A_129 = arith.constant 8 : i32
        %mul3A_130 = arith.muli %scan3A_61, %mul3A_129 : i32
        %add3A_131 = arith.constant 5 : i32
        %add3A_132 = arith.addi %mul3A_130, %add3A_131 : i32
        %mul3A_133 = arith.constant 16 : i32
        %mul3A_134 = arith.muli %add3A_132, %mul3A_133 : i32
        %get3A_135 = arith.index_cast %mul3A_134 : i32 to index
        %get3A_136 = tpu.vector_load %arg9[%get3A_135] {strides = array<i32>} : memref<8192xi32, #tpu.memory_space<vmem>>, vector<16xi32>,
        %and3A_137 = arith.constant 65535 : i32
        %and3A_138 = vector.broadcast %and3A_137 : i32 to vector<16xi32>
        %and3A_139 = arith.andi %get3A_136, %and3A_138 : vector<16xi32>
        %shift_right_arithmetic3A_140 = arith.constant 16 : i32
        %shift_right_arithmetic3A_141 = vector.broadcast %shift_right_arithmetic3A_140 : i32 to vector<16xi32>
        %shift_right_arithmetic3A_142 = arith.shrsi %get3A_136, %shift_right_arithmetic3A_141 : vector<16xi32>
        tpu.vector_store_idx %arg6[%and3A_139], %broadcast_in_dim3A_10 {add = true} : memref<19456xf32, #tpu.memory_space<vmem>>[vector<16xi32>], vector<16xf32>,
        tpu.vector_store_idx %arg7[%shift_right_arithmetic3A_142], %broadcast_in_dim3A_10 {add = true} : memref<19456xf32, #tpu.memory_space<vmem>>[vector<16xi32>], vector<16xf32>,
        %mul3A_143 = arith.constant 8 : i32
        %mul3A_144 = arith.muli %scan3A_61, %mul3A_143 : i32
        %add3A_145 = arith.constant 6 : i32
        %add3A_146 = arith.addi %mul3A_144, %add3A_145 : i32
        %mul3A_147 = arith.constant 16 : i32
        %mul3A_148 = arith.muli %add3A_146, %mul3A_147 : i32
        %get3A_149 = arith.index_cast %mul3A_148 : i32 to index
        %get3A_150 = tpu.vector_load %arg9[%get3A_149] {strides = array<i32>} : memref<8192xi32, #tpu.memory_space<vmem>>, vector<16xi32>,
        %and3A_151 = arith.constant 65535 : i32
        %and3A_152 = vector.broadcast %and3A_151 : i32 to vector<16xi32>
        %and3A_153 = arith.andi %get3A_150, %and3A_152 : vector<16xi32>
        %shift_right_arithmetic3A_154 = arith.constant 16 : i32
        %shift_right_arithmetic3A_155 = vector.broadcast %shift_right_arithmetic3A_154 : i32 to vector<16xi32>
        %shift_right_arithmetic3A_156 = arith.shrsi %get3A_150, %shift_right_arithmetic3A_155 : vector<16xi32>
        tpu.vector_store_idx %arg4[%and3A_153], %broadcast_in_dim3A_10 {add = true} : memref<19456xf32, #tpu.memory_space<vmem>>[vector<16xi32>], vector<16xf32>,
        tpu.vector_store_idx %arg5[%shift_right_arithmetic3A_156], %broadcast_in_dim3A_10 {add = true} : memref<19456xf32, #tpu.memory_space<vmem>>[vector<16xi32>], vector<16xf32>,
        %mul3A_157 = arith.constant 8 : i32
        %mul3A_158 = arith.muli %scan3A_61, %mul3A_157 : i32
        %add3A_159 = arith.constant 7 : i32
        %add3A_160 = arith.addi %mul3A_158, %add3A_159 : i32
        %mul3A_161 = arith.constant 16 : i32
        %mul3A_162 = arith.muli %add3A_160, %mul3A_161 : i32
        %get3A_163 = arith.index_cast %mul3A_162 : i32 to index
        %get3A_164 = tpu.vector_load %arg9[%get3A_163] {strides = array<i32>} : memref<8192xi32, #tpu.memory_space<vmem>>, vector<16xi32>,
        %and3A_165 = arith.constant 65535 : i32
        %and3A_166 = vector.broadcast %and3A_165 : i32 to vector<16xi32>
        %and3A_167 = arith.andi %get3A_164, %and3A_166 : vector<16xi32>
        %shift_right_arithmetic3A_168 = arith.constant 16 : i32
        %shift_right_arithmetic3A_169 = vector.broadcast %shift_right_arithmetic3A_168 : i32 to vector<16xi32>
        %shift_right_arithmetic3A_170 = arith.shrsi %get3A_164, %shift_right_arithmetic3A_169 : vector<16xi32>
        tpu.vector_store_idx %arg6[%and3A_167], %broadcast_in_dim3A_10 {add = true} : memref<19456xf32, #tpu.memory_space<vmem>>[vector<16xi32>], vector<16xf32>,
        tpu.vector_store_idx %arg7[%shift_right_arithmetic3A_170], %broadcast_in_dim3A_10 {add = true} : memref<19456xf32, #tpu.memory_space<vmem>>[vector<16xi32>], vector<16xf32>,
      }
      %scan3A_60 = arith.constant 64 : i32
    }
    %scan3A_19 = arith.constant 19 : i32
    %scan3A_20 = arith.constant 0 : i32
    %scan3A_21 = arith.constant 0 : i32
    %scan3A_22 = arith.constant 1216 : i32
    %scan3A_23 = arith.addi %scan3A_21, %scan3A_22 : i32
    %scan3A_24 = arith.constant 1 : i32
    scf.for %scan3A_26 = %scan3A_21 to %scan3A_23 step %scan3A_24  : i32 {
      %mul3A_27 = arith.constant 16 : i32
      %mul3A_28 = arith.muli %scan3A_26, %mul3A_27 : i32
      %get3A = arith.index_cast %mul3A_28 : i32 to index
      %get3A_29 = tpu.vector_load %arg4[%get3A] {strides = array<i32>} : memref<19456xf32, #tpu.memory_space<vmem>>, vector<16xf32>,
      %get3A_30 = arith.index_cast %mul3A_28 : i32 to index
      %get3A_31 = tpu.vector_load %arg5[%get3A_30] {strides = array<i32>} : memref<19456xf32, #tpu.memory_space<vmem>>, vector<16xf32>,
      %add3A_32 = arith.addf %get3A_29, %get3A_31 : vector<16xf32>
      %get3A_33 = arith.index_cast %mul3A_28 : i32 to index
      %get3A_34 = tpu.vector_load %arg6[%get3A_33] {strides = array<i32>} : memref<19456xf32, #tpu.memory_space<vmem>>, vector<16xf32>,
      %get3A_35 = arith.index_cast %mul3A_28 : i32 to index
      %get3A_36 = tpu.vector_load %arg7[%get3A_35] {strides = array<i32>} : memref<19456xf32, #tpu.memory_space<vmem>>, vector<16xf32>,
      %add3A_37 = arith.addf %get3A_34, %get3A_36 : vector<16xf32>
      %add3A_38 = arith.addf %add3A_32, %add3A_37 : vector<16xf32>
      %swap3A = arith.index_cast %mul3A_28 : i32 to index
      %swap3A_39 = tpu.vector_load %arg4[%swap3A] {strides = array<i32>} : memref<19456xf32, #tpu.memory_space<vmem>>, vector<16xf32>,
      tpu.vector_store %arg4[%swap3A], %add3A_38 {strides = array<i32>} : memref<19456xf32, #tpu.memory_space<vmem>>, vector<16xf32>,
    }
    %scan3A_25 = arith.constant 1216 : i32
    "tpu.region"() ({
      %run_scoped3A = tpu.sem_alloc : memref<!tpu.dma_semaphore, #tpu.memory_space<semaphore_mem>>
      %dma_start3A_26 = arith.constant 0 : i32
      %dma_start3A_27 = tpu.memref_slice %arg3[%add3A, %dma_start3A_26] : memref<32x19456xf32, #tpu.memory_space<hbm>> -> memref<1x19456xf32, #tpu.memory_space<hbm>>
      %dma_start3A_28 = tpu.memref_squeeze %dma_start3A_27 : memref<1x19456xf32, #tpu.memory_space<hbm>> -> memref<19456xf32, #tpu.memory_space<hbm>>
      %dma_start3A_29 = arith.constant 0 : i32
      %dma_start3A_30 = tpu.memref_slice %arg3[%add3A, %dma_start3A_29] : memref<32x19456xf32, #tpu.memory_space<hbm>> -> memref<1x19456xf32, #tpu.memory_space<hbm>>
      %dma_start3A_31 = tpu.memref_squeeze %dma_start3A_30 : memref<1x19456xf32, #tpu.memory_space<hbm>> -> memref<19456xf32, #tpu.memory_space<hbm>>
      tpu.enqueue_dma source(%arg4 : memref<19456xf32, #tpu.memory_space<vmem>>) target(%dma_start3A_31 : memref<19456xf32, #tpu.memory_space<hbm>>) target_semaphore(%run_scoped3A : memref<!tpu.dma_semaphore, #tpu.memory_space<semaphore_mem>>)
      %dma_wait3A = arith.constant 0 : i32
      %dma_wait3A_32 = tpu.memref_slice %arg3[%add3A, %dma_wait3A] : memref<32x19456xf32, #tpu.memory_space<hbm>> -> memref<1x19456xf32, #tpu.memory_space<hbm>>
      %dma_wait3A_33 = tpu.memref_squeeze %dma_wait3A_32 : memref<1x19456xf32, #tpu.memory_space<hbm>> -> memref<19456xf32, #tpu.memory_space<hbm>>
      %dma_wait3A_34 = arith.constant 0 : i32
      %dma_wait3A_35 = tpu.memref_slice %arg3[%add3A, %dma_wait3A_34] : memref<32x19456xf32, #tpu.memory_space<hbm>> -> memref<1x19456xf32, #tpu.memory_space<hbm>>
      %dma_wait3A_36 = tpu.memref_squeeze %dma_wait3A_35 : memref<1x19456xf32, #tpu.memory_space<hbm>> -> memref<19456xf32, #tpu.memory_space<hbm>>
      tpu.wait_dma2 semaphore(%run_scoped3A : memref<!tpu.dma_semaphore, #tpu.memory_space<semaphore_mem>>) src(%arg4 : memref<19456xf32, #tpu.memory_space<vmem>>) dst(%dma_wait3A_36 : memref<19456xf32, #tpu.memory_space<hbm>>)
      tpu.yield
    }) : () -> ()
    return
  }
}

module attributes {stable_mosaic.version = 14 : i64} {
  func.func @_phase1_body(%arg0: i32, %arg1: i32, %arg2: memref<1x19x64x512xf32, #tpu.memory_space<vmem>>, %arg3: memref<1x64x512xi32, #tpu.memory_space<vmem>>, %arg4: memref<1x19x32x512xi32, #tpu.memory_space<vmem>>) attributes {dimension_semantics = [#tpu.dimension_semantics<arbitrary>, #tpu.dimension_semantics<arbitrary>], iteration_bounds = array<i64: 4, 8>, scalar_prefetch = 0 : i64, scratch_operands = 0 : i64, tpu.core_type = #tpu.core_type<tc>, window_params = [{transform_indices = @transform_0, window_bounds = array<i64: 1, 19, 64, 512>}, {transform_indices = @transform_1, window_bounds = array<i64: 1, 64, 512>}, {transform_indices = @transform_2, window_bounds = array<i64: 1, 19, 32, 512>}]} {
    %get3A = arith.constant 0 : index
    %get3A_0 = arith.constant 0 : index
    %get3A_1 = arith.constant 0 : index
    %get3A_2 = arith.constant 0 : index
    %get3A_3 = vector.load %arg2[%get3A, %get3A_0, %get3A_1, %get3A_2] : memref<1x19x64x512xf32, #tpu.memory_space<vmem>>, vector<1x19x64x512xf32>
    %get3A_4 = arith.constant 0 : index
    %get3A_5 = arith.constant 0 : index
    %get3A_6 = arith.constant 0 : index
    %get3A_7 = vector.load %arg3[%get3A_4, %get3A_5, %get3A_6] : memref<1x64x512xi32, #tpu.memory_space<vmem>>, vector<1x64x512xi32>
    %reduce_max3A = arith.constant dense<0xFF800000> : vector<1x64x512xf32>
    %reduce_max3A_8 = vector.multi_reduction <maximumf>, %get3A_3, %reduce_max3A [1] : vector<1x19x64x512xf32> to vector<1x64x512xf32>
    %broadcast_in_dim3A = vector.shape_cast %reduce_max3A_8 : vector<1x64x512xf32> to vector<1x1x64x512xf32>
    %sub3A = vector.broadcast %broadcast_in_dim3A : vector<1x1x64x512xf32> to vector<1x19x64x512xf32>
    %sub3A_9 = arith.subf %get3A_3, %sub3A : vector<1x19x64x512xf32>
    %exp3A = math.exp %sub3A_9 : vector<1x19x64x512xf32>
    %reduce_sum3A = arith.constant dense<0.000000e+00> : vector<1x64x512xf32>
    %reduce_sum3A_10 = vector.multi_reduction <add>, %exp3A, %reduce_sum3A [1] : vector<1x19x64x512xf32> to vector<1x64x512xf32>
    %broadcast_in_dim3A_11 = vector.shape_cast %reduce_sum3A_10 : vector<1x64x512xf32> to vector<1x1x64x512xf32>
    %div3A = arith.constant 5.120000e+02 : f32
    %div3A_12 = vector.broadcast %div3A : f32 to vector<1x1x64x512xf32>
    %div3A_13 = arith.divf %div3A_12, %broadcast_in_dim3A_11 : vector<1x1x64x512xf32>
    %mul3A = vector.broadcast %div3A_13 : vector<1x1x64x512xf32> to vector<1x19x64x512xf32>
    %mul3A_14 = arith.mulf %exp3A, %mul3A : vector<1x19x64x512xf32>
    %iota3A = tpu.iota {dimensions = array<i32: 1>} : vector<1x19x64x512xi32>
    %broadcast_in_dim3A_15 = vector.shape_cast %get3A_7 : vector<1x64x512xi32> to vector<1x1x64x512xi32>
    %eq3A = vector.broadcast %broadcast_in_dim3A_15 : vector<1x1x64x512xi32> to vector<1x19x64x512xi32>
    %eq3A_16 = arith.cmpi eq, %eq3A, %iota3A : vector<1x19x64x512xi32>
    %sub3A_17 = arith.constant 1.024000e+03 : f32
    %sub3A_18 = vector.broadcast %sub3A_17 : f32 to vector<1x19x64x512xf32>
    %sub3A_19 = arith.subf %sub3A_18, %mul3A_14 : vector<1x19x64x512xf32>
    %select_n3A = arith.select %eq3A_16, %sub3A_19, %mul3A_14 : vector<1x19x64x512xi1>, vector<1x19x64x512xf32>
    %convert_element_type3A = arith.extui %eq3A_16 : vector<1x19x64x512xi1> to vector<1x19x64x512xi32>
    %convert_element_type3A_20 = arith.fptosi %select_n3A : vector<1x19x64x512xf32> to vector<1x19x64x512xi32>
    %mul3A_21 = arith.constant 512 : i32
    %mul3A_22 = vector.broadcast %mul3A_21 : i32 to vector<1x19x64x512xi32>
    %mul3A_23 = arith.muli %convert_element_type3A, %mul3A_22 : vector<1x19x64x512xi32>
    %add3A = arith.constant 511 : i32
    %add3A_24 = vector.broadcast %add3A : i32 to vector<1x19x64x512xi32>
    %add3A_25 = arith.addi %mul3A_23, %add3A_24 : vector<1x19x64x512xi32>
    %min3A = arith.minsi %convert_element_type3A_20, %add3A_25 : vector<1x19x64x512xi32>
    %mul3A_26 = arith.constant 1024 : i32
    %mul3A_27 = vector.broadcast %mul3A_26 : i32 to vector<1x19x64x512xi32>
    %mul3A_28 = arith.muli %iota3A, %mul3A_27 : vector<1x19x64x512xi32>
    %add3A_29 = arith.addi %mul3A_28, %min3A : vector<1x19x64x512xi32>
    %slice3A = vector.extract_strided_slice %add3A_29 {offsets = [0, 0, 0, 0], sizes = [1, 19, 32, 512], strides = [1, 1, 1, 1]} : vector<1x19x64x512xi32> to vector<1x19x32x512xi32>
    %slice3A_30 = vector.extract_strided_slice %add3A_29 {offsets = [0, 0, 32, 0], sizes = [1, 19, 32, 512], strides = [1, 1, 1, 1]} : vector<1x19x64x512xi32> to vector<1x19x32x512xi32>
    %shift_left3A = arith.constant 16 : i32
    %shift_left3A_31 = vector.broadcast %shift_left3A : i32 to vector<1x19x32x512xi32>
    %shift_left3A_32 = arith.shli %slice3A_30, %shift_left3A_31 : vector<1x19x32x512xi32>
    %or3A = arith.ori %slice3A, %shift_left3A_32 : vector<1x19x32x512xi32>
    %swap3A = arith.constant 0 : index
    %swap3A_33 = arith.constant 0 : index
    %swap3A_34 = arith.constant 0 : index
    %swap3A_35 = arith.constant 0 : index
    %swap3A_36 = vector.load %arg4[%swap3A, %swap3A_33, %swap3A_34, %swap3A_35] : memref<1x19x32x512xi32, #tpu.memory_space<vmem>>, vector<1x19x32x512xi32>
    tpu.vector_store %arg4[%swap3A, %swap3A_33, %swap3A_34, %swap3A_35], %or3A {strides = array<i32>} : memref<1x19x32x512xi32, #tpu.memory_space<vmem>>, vector<1x19x32x512xi32>,
    return
  }
  func.func @transform_0(%arg0: i32, %arg1: i32) -> (i32, i32, i32, i32) {
    %c0_i32 = arith.constant 0 : i32
    %c0_i32_0 = arith.constant 0 : i32
    %c0_i32_1 = arith.constant 0 : i32
    return %arg0, %c0_i32, %arg1, %c0_i32_0 : i32, i32, i32, i32
  }
  func.func @transform_1(%arg0: i32, %arg1: i32) -> (i32, i32, i32) {
    %c0_i32 = arith.constant 0 : i32
    %c0_i32_0 = arith.constant 0 : i32
    return %arg0, %arg1, %c0_i32 : i32, i32, i32
  }
  func.func @transform_2(%arg0: i32, %arg1: i32) -> (i32, i32, i32, i32) {
    %c0_i32 = arith.constant 0 : i32
    %c0_i32_0 = arith.constant 0 : i32
    %c0_i32_1 = arith.constant 0 : i32
    return %arg0, %c0_i32, %arg1, %c0_i32_0 : i32, i32, i32, i32
  }
}

module attributes {stable_mosaic.version = 14 : i64} {
  func.func @_phase3_body(%arg0: memref<32x19x1024xf32, #tpu.memory_space<vmem>>, %arg1: memref<1x1xf32, #tpu.memory_space<vmem>>) attributes {dimension_semantics = [], scalar_prefetch = 0 : i64, scratch_operands = 0 : i64, tpu.core_type = #tpu.core_type<tc>} {
    %get3A = arith.constant 0 : index
    %get3A_0 = arith.constant 0 : index
    %get3A_1 = arith.constant 0 : index
    %get3A_2 = vector.load %arg0[%get3A, %get3A_0, %get3A_1] : memref<32x19x1024xf32, #tpu.memory_space<vmem>>, vector<32x19x1024xf32>
    %reduce_sum3A = arith.constant dense<0.000000e+00> : vector<19x1024xf32>
    %reduce_sum3A_3 = vector.multi_reduction <add>, %get3A_2, %reduce_sum3A [0] : vector<32x19x1024xf32> to vector<19x1024xf32>
    %slice3A = vector.extract_strided_slice %reduce_sum3A_3 {offsets = [0, 0], sizes = [19, 512], strides = [1, 1]} : vector<19x1024xf32> to vector<19x512xf32>
    %slice3A_4 = vector.extract_strided_slice %reduce_sum3A_3 {offsets = [0, 512], sizes = [19, 512], strides = [1, 1]} : vector<19x1024xf32> to vector<19x512xf32>
    %add3A = arith.addf %slice3A, %slice3A_4 : vector<19x512xf32>
    %slice3A_5 = vector.extract_strided_slice %reduce_sum3A_3 {offsets = [0, 512], sizes = [19, 512], strides = [1, 1]} : vector<19x1024xf32> to vector<19x512xf32>
    %broadcast_in_dim3A = arith.constant 0.000000e+00 : f32
    %broadcast_in_dim3A_6 = vector.broadcast %broadcast_in_dim3A : f32 to vector<19x1xf32>
    %slice3A_7 = vector.extract_strided_slice %add3A {offsets = [0, 0], sizes = [19, 511], strides = [1, 1]} : vector<19x512xf32> to vector<19x511xf32>
    %concatenate3A = tpu.concatenate %broadcast_in_dim3A_6, %slice3A_7 in 1 : vector<19x1xf32>, vector<19x511xf32> -> vector<19x512xf32>
    %add3A_8 = arith.addf %add3A, %concatenate3A : vector<19x512xf32>
    %broadcast_in_dim3A_9 = arith.constant 0.000000e+00 : f32
    %broadcast_in_dim3A_10 = vector.broadcast %broadcast_in_dim3A_9 : f32 to vector<19x2xf32>
    %slice3A_11 = vector.extract_strided_slice %add3A_8 {offsets = [0, 0], sizes = [19, 510], strides = [1, 1]} : vector<19x512xf32> to vector<19x510xf32>
    %concatenate3A_12 = tpu.concatenate %broadcast_in_dim3A_10, %slice3A_11 in 1 : vector<19x2xf32>, vector<19x510xf32> -> vector<19x512xf32>
    %add3A_13 = arith.addf %add3A_8, %concatenate3A_12 : vector<19x512xf32>
    %broadcast_in_dim3A_14 = arith.constant 0.000000e+00 : f32
    %broadcast_in_dim3A_15 = vector.broadcast %broadcast_in_dim3A_14 : f32 to vector<19x4xf32>
    %slice3A_16 = vector.extract_strided_slice %add3A_13 {offsets = [0, 0], sizes = [19, 508], strides = [1, 1]} : vector<19x512xf32> to vector<19x508xf32>
    %concatenate3A_17 = tpu.concatenate %broadcast_in_dim3A_15, %slice3A_16 in 1 : vector<19x4xf32>, vector<19x508xf32> -> vector<19x512xf32>
    %add3A_18 = arith.addf %add3A_13, %concatenate3A_17 : vector<19x512xf32>
    %broadcast_in_dim3A_19 = arith.constant 0.000000e+00 : f32
    %broadcast_in_dim3A_20 = vector.broadcast %broadcast_in_dim3A_19 : f32 to vector<19x8xf32>
    %slice3A_21 = vector.extract_strided_slice %add3A_18 {offsets = [0, 0], sizes = [19, 504], strides = [1, 1]} : vector<19x512xf32> to vector<19x504xf32>
    %concatenate3A_22 = tpu.concatenate %broadcast_in_dim3A_20, %slice3A_21 in 1 : vector<19x8xf32>, vector<19x504xf32> -> vector<19x512xf32>
    %add3A_23 = arith.addf %add3A_18, %concatenate3A_22 : vector<19x512xf32>
    %broadcast_in_dim3A_24 = arith.constant 0.000000e+00 : f32
    %broadcast_in_dim3A_25 = vector.broadcast %broadcast_in_dim3A_24 : f32 to vector<19x16xf32>
    %slice3A_26 = vector.extract_strided_slice %add3A_23 {offsets = [0, 0], sizes = [19, 496], strides = [1, 1]} : vector<19x512xf32> to vector<19x496xf32>
    %concatenate3A_27 = tpu.concatenate %broadcast_in_dim3A_25, %slice3A_26 in 1 : vector<19x16xf32>, vector<19x496xf32> -> vector<19x512xf32>
    %add3A_28 = arith.addf %add3A_23, %concatenate3A_27 : vector<19x512xf32>
    %broadcast_in_dim3A_29 = arith.constant 0.000000e+00 : f32
    %broadcast_in_dim3A_30 = vector.broadcast %broadcast_in_dim3A_29 : f32 to vector<19x32xf32>
    %slice3A_31 = vector.extract_strided_slice %add3A_28 {offsets = [0, 0], sizes = [19, 480], strides = [1, 1]} : vector<19x512xf32> to vector<19x480xf32>
    %concatenate3A_32 = tpu.concatenate %broadcast_in_dim3A_30, %slice3A_31 in 1 : vector<19x32xf32>, vector<19x480xf32> -> vector<19x512xf32>
    %add3A_33 = arith.addf %add3A_28, %concatenate3A_32 : vector<19x512xf32>
    %broadcast_in_dim3A_34 = arith.constant 0.000000e+00 : f32
    %broadcast_in_dim3A_35 = vector.broadcast %broadcast_in_dim3A_34 : f32 to vector<19x64xf32>
    %slice3A_36 = vector.extract_strided_slice %add3A_33 {offsets = [0, 0], sizes = [19, 448], strides = [1, 1]} : vector<19x512xf32> to vector<19x448xf32>
    %concatenate3A_37 = tpu.concatenate %broadcast_in_dim3A_35, %slice3A_36 in 1 : vector<19x64xf32>, vector<19x448xf32> -> vector<19x512xf32>
    %add3A_38 = arith.addf %add3A_33, %concatenate3A_37 : vector<19x512xf32>
    %broadcast_in_dim3A_39 = arith.constant 0.000000e+00 : f32
    %broadcast_in_dim3A_40 = vector.broadcast %broadcast_in_dim3A_39 : f32 to vector<19x128xf32>
    %slice3A_41 = vector.extract_strided_slice %add3A_38 {offsets = [0, 0], sizes = [19, 384], strides = [1, 1]} : vector<19x512xf32> to vector<19x384xf32>
    %concatenate3A_42 = tpu.concatenate %broadcast_in_dim3A_40, %slice3A_41 in 1 : vector<19x128xf32>, vector<19x384xf32> -> vector<19x512xf32>
    %add3A_43 = arith.addf %add3A_38, %concatenate3A_42 : vector<19x512xf32>
    %broadcast_in_dim3A_44 = arith.constant 0.000000e+00 : f32
    %broadcast_in_dim3A_45 = vector.broadcast %broadcast_in_dim3A_44 : f32 to vector<19x256xf32>
    %slice3A_46 = vector.extract_strided_slice %add3A_43 {offsets = [0, 0], sizes = [19, 256], strides = [1, 1]} : vector<19x512xf32> to vector<19x256xf32>
    %concatenate3A_47 = tpu.concatenate %broadcast_in_dim3A_45, %slice3A_46 in 1 : vector<19x256xf32>, vector<19x256xf32> -> vector<19x512xf32>
    %add3A_48 = arith.addf %add3A_43, %concatenate3A_47 : vector<19x512xf32>
    %broadcast_in_dim3A_49 = arith.constant 0.000000e+00 : f32
    %broadcast_in_dim3A_50 = vector.broadcast %broadcast_in_dim3A_49 : f32 to vector<19x1xf32>
    %slice3A_51 = vector.extract_strided_slice %slice3A_5 {offsets = [0, 0], sizes = [19, 511], strides = [1, 1]} : vector<19x512xf32> to vector<19x511xf32>
    %concatenate3A_52 = tpu.concatenate %broadcast_in_dim3A_50, %slice3A_51 in 1 : vector<19x1xf32>, vector<19x511xf32> -> vector<19x512xf32>
    %add3A_53 = arith.addf %slice3A_5, %concatenate3A_52 : vector<19x512xf32>
    %broadcast_in_dim3A_54 = arith.constant 0.000000e+00 : f32
    %broadcast_in_dim3A_55 = vector.broadcast %broadcast_in_dim3A_54 : f32 to vector<19x2xf32>
    %slice3A_56 = vector.extract_strided_slice %add3A_53 {offsets = [0, 0], sizes = [19, 510], strides = [1, 1]} : vector<19x512xf32> to vector<19x510xf32>
    %concatenate3A_57 = tpu.concatenate %broadcast_in_dim3A_55, %slice3A_56 in 1 : vector<19x2xf32>, vector<19x510xf32> -> vector<19x512xf32>
    %add3A_58 = arith.addf %add3A_53, %concatenate3A_57 : vector<19x512xf32>
    %broadcast_in_dim3A_59 = arith.constant 0.000000e+00 : f32
    %broadcast_in_dim3A_60 = vector.broadcast %broadcast_in_dim3A_59 : f32 to vector<19x4xf32>
    %slice3A_61 = vector.extract_strided_slice %add3A_58 {offsets = [0, 0], sizes = [19, 508], strides = [1, 1]} : vector<19x512xf32> to vector<19x508xf32>
    %concatenate3A_62 = tpu.concatenate %broadcast_in_dim3A_60, %slice3A_61 in 1 : vector<19x4xf32>, vector<19x508xf32> -> vector<19x512xf32>
    %add3A_63 = arith.addf %add3A_58, %concatenate3A_62 : vector<19x512xf32>
    %broadcast_in_dim3A_64 = arith.constant 0.000000e+00 : f32
    %broadcast_in_dim3A_65 = vector.broadcast %broadcast_in_dim3A_64 : f32 to vector<19x8xf32>
    %slice3A_66 = vector.extract_strided_slice %add3A_63 {offsets = [0, 0], sizes = [19, 504], strides = [1, 1]} : vector<19x512xf32> to vector<19x504xf32>
    %concatenate3A_67 = tpu.concatenate %broadcast_in_dim3A_65, %slice3A_66 in 1 : vector<19x8xf32>, vector<19x504xf32> -> vector<19x512xf32>
    %add3A_68 = arith.addf %add3A_63, %concatenate3A_67 : vector<19x512xf32>
    %broadcast_in_dim3A_69 = arith.constant 0.000000e+00 : f32
    %broadcast_in_dim3A_70 = vector.broadcast %broadcast_in_dim3A_69 : f32 to vector<19x16xf32>
    %slice3A_71 = vector.extract_strided_slice %add3A_68 {offsets = [0, 0], sizes = [19, 496], strides = [1, 1]} : vector<19x512xf32> to vector<19x496xf32>
    %concatenate3A_72 = tpu.concatenate %broadcast_in_dim3A_70, %slice3A_71 in 1 : vector<19x16xf32>, vector<19x496xf32> -> vector<19x512xf32>
    %add3A_73 = arith.addf %add3A_68, %concatenate3A_72 : vector<19x512xf32>
    %broadcast_in_dim3A_74 = arith.constant 0.000000e+00 : f32
    %broadcast_in_dim3A_75 = vector.broadcast %broadcast_in_dim3A_74 : f32 to vector<19x32xf32>
    %slice3A_76 = vector.extract_strided_slice %add3A_73 {offsets = [0, 0], sizes = [19, 480], strides = [1, 1]} : vector<19x512xf32> to vector<19x480xf32>
    %concatenate3A_77 = tpu.concatenate %broadcast_in_dim3A_75, %slice3A_76 in 1 : vector<19x32xf32>, vector<19x480xf32> -> vector<19x512xf32>
    %add3A_78 = arith.addf %add3A_73, %concatenate3A_77 : vector<19x512xf32>
    %broadcast_in_dim3A_79 = arith.constant 0.000000e+00 : f32
    %broadcast_in_dim3A_80 = vector.broadcast %broadcast_in_dim3A_79 : f32 to vector<19x64xf32>
    %slice3A_81 = vector.extract_strided_slice %add3A_78 {offsets = [0, 0], sizes = [19, 448], strides = [1, 1]} : vector<19x512xf32> to vector<19x448xf32>
    %concatenate3A_82 = tpu.concatenate %broadcast_in_dim3A_80, %slice3A_81 in 1 : vector<19x64xf32>, vector<19x448xf32> -> vector<19x512xf32>
    %add3A_83 = arith.addf %add3A_78, %concatenate3A_82 : vector<19x512xf32>
    %broadcast_in_dim3A_84 = arith.constant 0.000000e+00 : f32
    %broadcast_in_dim3A_85 = vector.broadcast %broadcast_in_dim3A_84 : f32 to vector<19x128xf32>
    %slice3A_86 = vector.extract_strided_slice %add3A_83 {offsets = [0, 0], sizes = [19, 384], strides = [1, 1]} : vector<19x512xf32> to vector<19x384xf32>
    %concatenate3A_87 = tpu.concatenate %broadcast_in_dim3A_85, %slice3A_86 in 1 : vector<19x128xf32>, vector<19x384xf32> -> vector<19x512xf32>
    %add3A_88 = arith.addf %add3A_83, %concatenate3A_87 : vector<19x512xf32>
    %broadcast_in_dim3A_89 = arith.constant 0.000000e+00 : f32
    %broadcast_in_dim3A_90 = vector.broadcast %broadcast_in_dim3A_89 : f32 to vector<19x256xf32>
    %slice3A_91 = vector.extract_strided_slice %add3A_88 {offsets = [0, 0], sizes = [19, 256], strides = [1, 1]} : vector<19x512xf32> to vector<19x256xf32>
    %concatenate3A_92 = tpu.concatenate %broadcast_in_dim3A_90, %slice3A_91 in 1 : vector<19x256xf32>, vector<19x256xf32> -> vector<19x512xf32>
    %add3A_93 = arith.addf %add3A_88, %concatenate3A_92 : vector<19x512xf32>
    %slice3A_94 = vector.extract_strided_slice %add3A_48 {offsets = [0, 511], sizes = [19, 1], strides = [1, 1]} : vector<19x512xf32> to vector<19x1xf32>
    %slice3A_95 = vector.extract_strided_slice %add3A_93 {offsets = [0, 511], sizes = [19, 1], strides = [1, 1]} : vector<19x512xf32> to vector<19x1xf32>
    %sub3A = vector.broadcast %slice3A_94 : vector<19x1xf32> to vector<19x512xf32>
    %sub3A_96 = arith.subf %sub3A, %add3A_48 : vector<19x512xf32>
    %add3A_97 = arith.addf %sub3A_96, %add3A : vector<19x512xf32>
    %sub3A_98 = vector.broadcast %slice3A_95 : vector<19x1xf32> to vector<19x512xf32>
    %sub3A_99 = arith.subf %sub3A_98, %add3A_93 : vector<19x512xf32>
    %add3A_100 = arith.addf %sub3A_99, %slice3A_5 : vector<19x512xf32>
    %gt3A = arith.constant 0.000000e+00 : f32
    %gt3A_101 = vector.broadcast %gt3A : f32 to vector<19x512xf32>
    %gt3A_102 = arith.cmpf ogt, %add3A_97, %gt3A_101 : vector<19x512xf32>
    %add3A_103 = vector.broadcast %slice3A_95 : vector<19x1xf32> to vector<19x512xf32>
    %add3A_104 = arith.addf %add3A_103, %add3A_97 : vector<19x512xf32>
    %sub3A_105 = arith.subf %add3A_104, %add3A_100 : vector<19x512xf32>
    %div3A = arith.divf %add3A_97, %sub3A_105 : vector<19x512xf32>
    %jit3A = arith.constant 0.000000e+00 : f32
    %broadcast_in_dim3A_106 = vector.broadcast %jit3A : f32 to vector<19x512xf32>
    %select_n3A = arith.select %gt3A_102, %div3A, %broadcast_in_dim3A_106 : vector<19x512xi1>, vector<19x512xf32>
    %gt3A_107 = arith.constant 0.000000e+00 : f32
    %gt3A_108 = vector.broadcast %gt3A_107 : f32 to vector<19x512xf32>
    %gt3A_109 = arith.cmpf ogt, %sub3A_96, %gt3A_108 : vector<19x512xf32>
    %add3A_110 = vector.broadcast %slice3A_95 : vector<19x1xf32> to vector<19x512xf32>
    %add3A_111 = arith.addf %add3A_110, %sub3A_96 : vector<19x512xf32>
    %sub3A_112 = arith.subf %add3A_111, %sub3A_99 : vector<19x512xf32>
    %div3A_113 = arith.divf %sub3A_96, %sub3A_112 : vector<19x512xf32>
    %jit3A_114 = arith.constant 0.000000e+00 : f32
    %broadcast_in_dim3A_115 = vector.broadcast %jit3A_114 : f32 to vector<19x512xf32>
    %select_n3A_116 = arith.select %gt3A_109, %div3A_113, %broadcast_in_dim3A_115 : vector<19x512xi1>, vector<19x512xf32>
    %iota3A = tpu.iota {dimensions = array<i32: 1>} : vector<19x512xi32>
    %convert_element_type3A = arith.sitofp %iota3A : vector<19x512xi32> to vector<19x512xf32>
    %add3A_117 = arith.constant 5.000000e-01 : f32
    %add3A_118 = vector.broadcast %add3A_117 : f32 to vector<19x512xf32>
    %add3A_119 = arith.addf %convert_element_type3A, %add3A_118 : vector<19x512xf32>
    %div3A_120 = arith.constant 5.120000e+02 : f32
    %div3A_121 = vector.broadcast %div3A_120 : f32 to vector<19x512xf32>
    %div3A_122 = arith.divf %add3A_119, %div3A_121 : vector<19x512xf32>
    %sub3A_123 = arith.subf %select_n3A, %select_n3A_116 : vector<19x512xf32>
    %mul3A = arith.mulf %div3A_122, %sub3A_123 : vector<19x512xf32>
    %reduce_sum3A_124 = arith.constant dense<0.000000e+00> : vector<19xf32>
    %reduce_sum3A_125 = vector.multi_reduction <add>, %mul3A, %reduce_sum3A_124 [1] : vector<19x512xf32> to vector<19xf32>
    %broadcast_in_dim3A_126 = vector.shape_cast %reduce_sum3A_125 : vector<19xf32> to vector<19x1xf32>
    %gt3A_127 = arith.constant 0.000000e+00 : f32
    %gt3A_128 = vector.broadcast %gt3A_127 : f32 to vector<19x1xf32>
    %gt3A_129 = arith.cmpf ogt, %slice3A_95, %gt3A_128 : vector<19x1xf32>
    %convert_element_type3A_130 = arith.extui %gt3A_129 : vector<19x1xi1> to vector<19x1xi32>
    %convert_element_type3A_131 = arith.sitofp %convert_element_type3A_130 : vector<19x1xi32> to vector<19x1xf32>
    %gt3A_132 = arith.constant 0.000000e+00 : f32
    %gt3A_133 = vector.broadcast %gt3A_132 : f32 to vector<19x1xf32>
    %gt3A_134 = arith.cmpf ogt, %slice3A_95, %gt3A_133 : vector<19x1xf32>
    %jit3A_135 = arith.constant 0.000000e+00 : f32
    %broadcast_in_dim3A_136 = vector.broadcast %jit3A_135 : f32 to vector<19x1xf32>
    %select_n3A_137 = arith.select %gt3A_134, %broadcast_in_dim3A_126, %broadcast_in_dim3A_136 : vector<19x1xi1>, vector<19x1xf32>
    %reduce_sum3A_138 = arith.constant dense<0.000000e+00> : vector<1xf32>
    %reduce_sum3A_139 = vector.multi_reduction <add>, %select_n3A_137, %reduce_sum3A_138 [0] : vector<19x1xf32> to vector<1xf32>
    %broadcast_in_dim3A_140 = vector.shape_cast %reduce_sum3A_139 : vector<1xf32> to vector<1x1xf32>
    %reduce_sum3A_141 = arith.constant dense<0.000000e+00> : vector<1xf32>
    %reduce_sum3A_142 = vector.multi_reduction <add>, %convert_element_type3A_131, %reduce_sum3A_141 [0] : vector<19x1xf32> to vector<1xf32>
    %broadcast_in_dim3A_143 = vector.shape_cast %reduce_sum3A_142 : vector<1xf32> to vector<1x1xf32>
    %gt3A_144 = arith.constant 0.000000e+00 : f32
    %gt3A_145 = vector.broadcast %gt3A_144 : f32 to vector<1x1xf32>
    %gt3A_146 = arith.cmpf ogt, %broadcast_in_dim3A_143, %gt3A_145 : vector<1x1xf32>
    %max3A = arith.constant 1.000000e+00 : f32
    %max3A_147 = vector.broadcast %max3A : f32 to vector<1x1xf32>
    %max3A_148 = arith.maximumf %broadcast_in_dim3A_143, %max3A_147 : vector<1x1xf32>
    %div3A_149 = arith.divf %broadcast_in_dim3A_140, %max3A_148 : vector<1x1xf32>
    %jit3A_150 = arith.constant 0.000000e+00 : f32
    %broadcast_in_dim3A_151 = vector.broadcast %jit3A_150 : f32 to vector<1x1xf32>
    %select_n3A_152 = arith.select %gt3A_146, %div3A_149, %broadcast_in_dim3A_151 : vector<1x1xi1>, vector<1x1xf32>
    %swap3A = arith.constant 0 : index
    %swap3A_153 = arith.constant 0 : index
    %swap3A_154 = vector.load %arg1[%swap3A, %swap3A_153] : memref<1x1xf32, #tpu.memory_space<vmem>>, vector<1x1xf32>
    tpu.vector_store %arg1[%swap3A, %swap3A_153], %select_n3A_152 {strides = array<i32>} : memref<1x1xf32, #tpu.memory_space<vmem>>, vector<1x1xf32>,
    return
  }
}

</mosaic_0001>

<sc_bundles>
// kernel: kernel.5.cloned.1.call-start
scs
__scs_entry_jumppad:
0x0: {  	(pc) =	sbr.rel $0x88, $3  }
0x1: {  	(tag) =	ssettag $0x0;
	lr =	simm.s32 $0x1  }
0x2: {  	[smem:$0x3F9F] =	sst lr;
	_ =	strace $0xD0000000  }
0x3: {  	_ = 	snop  }
0x4: {  	_ = 	snop  }
0x5: {  	_ = 	snop  }
0x6: {  	_ = 	snop  }
0x7: {  	_ = 	snop  }
__scs_overlays_trampoline_lowered:
0x8: {  	[smem:$0x3FAE] =	sst s0  }
0x9: {  	[smem:$0x3FAF] =	sst s1  }
0xa: {  	[smem:$0x3FB0] =	sst s2  }
0xb: {  	[smem:$0x3FB1] =	sst s3  }
0xc: {  	[smem:$0x3FB2] =	sst s4  }
0xd: {  	[smem:$0x3FB3] =	sst s5  }
0xe: {  	[smem:$0x3FB4] =	sst s6  }
0xf: {  	[smem:$0x3FB5] =	sst s7  }
0x10: {  	[smem:$0x3FB6] =	sst s8  }
0x11: {  	[smem:$0x3FB7] =	sst s9;
	s0 =	simm.s32 @!p0 $0x0  }
0x12: {  	s1 =	sld [smem:$0x3F9D];
	s0 =	simm.s32 @p0 $0x1  }
0x13: {  	[smem:$0x3FB8] =	sst s0;
	s0 =	simm.s32 @!p1 $0x0  }
0x14: {  	s2 =	sld [smem:$0x3F9C];
	s0 =	simm.s32 @p1 $0x1  }
0x15: {  	[smem:$0x3FB9] =	sst s0;
	s0 =	simm.s32 @!p2 $0x0  }
0x16: {  	s3 =	sld [smem:$0x3FDB];
	s0 =	simm.s32 @p2 $0x1  }
0x17: {  	s4 =	simm.s32 $0x1BF5;
	[smem:$0x3FBB] =	sst s0  }
0x18: {  	s0 =	sld [smem:$0x3F9E];
	_ =	swait.ge [sflag:s4], $0x0  }
0x19: {  	s7 =	sld [smem:$0x3F9F]  }
0x1a: {  	s8 =	sadd.s32 $0xFFFFE003, lr  }
0x1b: {  	s9 =	sadd.s32 $0xFFFFFEF7, lr;
	s5 =	simm.s32 $0xFFFFFFFF;
	p2 =	slt.u32 s8, $0xFFFFF086  }
0x1c: {  	p1 =	slt.u32 s9, $0xF7A;
	s5 =	simm.s32 @!p2 $0x0  }
0x1d: {  	s5 =	simm.s32 @p1 $0x1;
	p0 =	seq.s32 s7, s2  }
0x1e: {  	s7 =	smul.u32 @!p0 $0xF7A, s2;
	p2 =	seq.s32 @!p0 s5, $0x0  }
0x1f: {  	s9 =	smul.u32 $0xF7A, s1;
	s8 =	simm.s32 @!p0 $0x1BF5;
	p2 =	por !p2, p0  }
0x20: {  	[sflag:s8] =	ssyncset.s32 @!p0 $0xFFFFF086;
	s6 =	sadd.s32 @!p0 s3, s7;
	s7 =	simm.s32 @!p0 $0x108  }
0x21: {  	s3 =	sadd.s32 s3, s9;
	s6 =	sadd.s32 @!p0 $0x88, s6;
	s7 =	simm.s32 @p2 $0x1082  }
0x22: {  	[simem:s7], [sflag:s8] =	dma.local @!p0 [hbm:s6], $0xF7A  }
0x23: {  	s9 =	sor.u32 $0xD0000000, s2;
	s6 =	simm.s32 $0x108;
	_ =	swait.ge @!p0 [sflag:s8], $0x0  }
0x24: {  	s3 =	sadd.s32 $0x88, s3;
	s6 =	simm.s32 @!p1 $0x1082;
	[sflag:s4] =	ssyncset.s32 $0xFFFFF086  }
0x25: {  	[simem:s6], [sflag:s4] =	dma.local [hbm:s3], $0xF7A  }
0x26: {  	[smem:$0x3F9F] =	sst s1;
	(tag) =	ssettag s2;
	_ =	strace s9  }
0x27: {  	s1 =	sld [smem:$0x3FAF]  }
0x28: {  	s2 =	sld [smem:$0x3FB0]  }
0x29: {  	s4 =	sld [smem:$0x3FB2]  }
0x2a: {  	p0 =	seq.s32 s5, $0x0;
	s5 =	sld [smem:$0x3FB3]  }
0x2b: {  	s6 =	sld [smem:$0x3FB4]  }
0x2c: {  	s7 =	sld [smem:$0x3FB5]  }
0x2d: {  	s3 =	simm.s32 $0x108;
	s8 =	sld [smem:$0x3FB6]  }
0x2e: {  	s3 =	simm.s32 @!p0 $0x1082;
	s9 =	sld [smem:$0x3FB7]  }
0x2f: {  	lr =	sadd.s32 s0, s3;
	s0 =	sld [smem:$0x3FAE]  }
0x30: {  	s3 =	sld [smem:$0x3FB1]  }
0x31: {  	[smem:$0x3FBA] =	sst s10  }
0x32: {  	s10 =	sld [smem:$0x3FB8];
	_ =	sdelay $0x3  }
0x33: {  	p0 =	seq.s32 s10, $0x1;
	s10 =	sld [smem:$0x3FBA];
	_ =	sdelay $0x3  }
0x34: {  	[smem:$0x3FBA] =	sst s10  }
0x35: {  	s10 =	sld [smem:$0x3FB9];
	_ =	sdelay $0x3  }
0x36: {  	p1 =	seq.s32 s10, $0x1;
	s10 =	sld [smem:$0x3FBA];
	_ =	sdelay $0x3  }
0x37: {  	[smem:$0x3FBA] =	sst s10  }
0x38: {  	s10 =	sld [smem:$0x3FBB]  }
0x39: {  	_ = 	snop;
	(pc) =	sbr.ind lr, $3  }
0x3a: {  	_ = 	snop  }
0x3b: {  	_ = 	snop  }
0x3c: {  	p2 =	seq.s32 s10, $0x1;
	s10 =	sld [smem:$0x3FBA]  }
0x3d: {  	_ =	shalt  }
0x3e: {  	_ =	shalt  }
0x3f: {  	_ =	shalt  }
0x40: {  	_ =	shalt  }
0x41: {  	_ =	shalt  }
0x42: {  	_ =	shalt  }
0x43: {  	_ =	shalt  }
0x44: {  	_ =	shalt  }
0x45: {  	_ =	shalt  }
0x46: {  	_ =	shalt  }
0x47: {  	_ =	shalt  }
0x48: {  	_ =	shalt  }
0x49: {  	_ =	shalt  }
0x4a: {  	_ =	shalt  }
0x4b: {  	_ =	shalt  }
0x4c: {  	_ =	shalt  }
0x4d: {  	_ =	shalt  }
0x4e: {  	_ =	shalt  }
0x4f: {  	_ =	shalt  }
0x50: {  	_ =	shalt  }
0x51: {  	_ =	shalt  }
0x52: {  	_ =	shalt  }
0x53: {  	_ =	shalt  }
0x54: {  	_ =	shalt  }
0x55: {  	_ =	shalt  }
0x56: {  	_ =	shalt  }
0x57: {  	_ =	shalt  }
0x58: {  	_ =	shalt  }
0x59: {  	_ =	shalt  }
0x5a: {  	_ =	shalt  }
0x5b: {  	_ =	shalt  }
0x5c: {  	_ =	shalt  }
0x5d: {  	_ =	shalt  }
0x5e: {  	_ =	shalt  }
0x5f: {  	_ =	shalt  }
0x60: {  	_ =	shalt  }
0x61: {  	_ =	shalt  }
0x62: {  	_ =	shalt  }
0x63: {  	_ =	shalt  }
0x64: {  	_ =	shalt  }
0x65: {  	_ =	shalt  }
0x66: {  	_ =	shalt  }
0x67: {  	_ =	shalt  }
0x68: {  	_ =	shalt  }
0x69: {  	_ =	shalt  }
0x6a: {  	_ =	shalt  }
0x6b: {  	_ =	shalt  }
0x6c: {  	_ =	shalt  }
0x6d: {  	_ =	shalt  }
0x6e: {  	_ =	shalt  }
0x6f: {  	_ =	shalt  }
0x70: {  	_ =	shalt  }
0x71: {  	_ =	shalt  }
0x72: {  	_ =	shalt  }
0x73: {  	_ =	shalt  }
0x74: {  	_ =	shalt  }
0x75: {  	_ =	shalt  }
0x76: {  	_ =	shalt  }
0x77: {  	_ =	shalt  }
0x78: {  	_ =	shalt  }
0x79: {  	_ =	shalt  }
0x7a: {  	_ =	shalt  }
0x7b: {  	_ =	shalt  }
0x7c: {  	_ =	shalt  }
0x7d: {  	_ =	shalt  }
0x7e: {  	_ =	shalt  }
0x7f: {  	_ =	shalt  }
0x80: {  	_ =	shalt  }
0x81: {  	_ =	shalt  }
0x82: {  	_ =	shalt  }
0x83: {  	_ =	shalt  }
0x84: {  	_ =	shalt  }
0x85: {  	_ =	shalt  }
0x86: {  	_ =	shalt  }
0x87: {  	_ =	shalt  }
.Lfunc_end0:
.L_simem_size_0:
called_computation.1_lowered:
.L_overlay_start_0:
0x88: {  	s2 =	sld [smem:$0x3FD9]  }
0x89: {  	s3 =	sld [smem:$0x3FFE];
	_ =	sdelay $0x1  }
0x8a: {  	s1 =	srdreg.scid  }
0x8b: {  	s0 =	sand.u32 $0x1, s1  }
0x8c: {  	s16 =	sshll.u32 s0, $0xA;
	s2 =	sadd.s32 s3, s2  }
0x8d: {  	s2 =	sadd.s32 s2, s16  }
0x8e: {  	[smem:$0x3FC6] =	sst s2  }
0x8f: {  	_ = 	snop  }
0x90: {  	(tm) =	ssettm $0x1  }
0x91: {  	s17 =	sld [smem:$0x3FFB];
	_ =	sdelay $0x3  }
0x92: {  	_ =	strace s17  }
0x93: {  	s2 =	sld [smem:$0x3FFC];
	_ =	sdelay $0x3  }
0x94: {  	_ =	strace s2  }
0x95: {  	s2 =	sld [smem:$0x3FFD];
	_ =	sdelay $0x3  }
0x96: {  	_ =	strace s2  }
0x97: {  	_ =	strace $0x8FFFFFFF  }
0x98: {  	s18 =	sld [smem:$0x3FDB];
	_ =	sdelay $0x1  }
0x99: {  	s19 =	simm.s32 $_scs_section_size  }
0x9a: {  	s4 =	simm.s32 $_size__tile_overlayer_lowered;
	s5 =	simm.s32 $_tile_overlayer_lowered  }
0x9b: {  	s22 =	simm.s32 $0x1BFF;
	s21 =	sshll.u32 s5, $0x1;
	s2 =	sadd.s32 s19, s18  }
0x9c: {  	s6 =	simm.s32 $0x0;
	s20 =	sshll.u32 s4, $0x1;
	s4 =	sadd.s32 s21, s2  }
0x9d: {  	[timem:s6], [sflag:s22] =	dma.local [hbm:s4], s20  }
0x9e: {  	_ =	swait.ge [sflag:s22], s20  }
0x9f: {  	s3 =	ssub.s32 $0x0, s20;
	[sflag:s22] =	ssyncset.done $0x0  }
0xa0: {  	[sflag:s22] =	ssyncadd.s32 s3;
	_ =	sdelay $0x1  }
0xa1: {  	s23 =	simm.s32 $0x1B8B  }
0xa2: {  	_ =	swait.ge [sflag:s23], $0x1  }
0xa3: {  	[sflag:s23] =	ssyncset.done $0x0  }
0xa4: {  	s25 =	simm.s32 $0x1B8E;
	s24 =	sld [smem:$0x3FFE];
	[sflag:s23] =	ssyncadd.s32 $0xFFFFFFFF  }
0xa5: {  	s26 =	simm.s32 $execute0_lowered;
	[smem:$0x3FD2] =	sst s25  }
0xa6: {  	s4 =	sshll.u32 s26, $0x1;
	_ =	strace $0x80000049;
	[dreg:$0x1] =	wrdreg $0xFFFFFFFF  }
0xa7: {  	s28 =	simm.s32 $_size_execute0_lowered;
	s2 =	sadd.s32 s2, s4;
	[dreg:$0x0] =	wrdreg $0x0  }
0xa8: {  	s4 =	sshll.u32 s28, $0x1;
	[dreg:$0x2] =	wrdreg s2  }
0xa9: {  	[dreg:$0x3] =	wrdreg s4  }
0xaa: {  	[dreg:$0x4] =	wrdreg $0xC0  }
0xab: {  	_ =	task [dreg:s6], $0x5FFFF  }
0xac: {  	[dreg:$0x1] =	wrdreg $0xFFFFFFFF  }
0xad: {  	[dreg:$0x0] =	wrdreg $0x60  }
0xae: {  	[dreg:$0x2] =	wrdreg s24  }
0xaf: {  	[dreg:$0x3] =	wrdreg $0x9  }
0xb0: {  	_ =	task.clear_ibuf [dreg:s6], $0x4FFFF;
	_ =	strace $0x90000049  }
0xb1: {  	s29 =	simm.s32 $0x9;
	_ =	strace $0x8000004B  }
0xb2: {  	_ =	swait.ge [sflag:s29], $0x1  }
0xb3: {  	[sflag:s29] =	ssyncadd.s32 $0xFFFFFFFF  }
0xb4: {  	_ =	strace $0x9000004B  }
0xb5: {  	_ =	sfence  }
0xb6: {  	s30 =	sld [smem:$0x0];
	_ =	sdelay $0x2  }
0xb7: {  	s31 =	sshll.u32 s1, $0xD;
	s1 =	sshrl.u32 s1, $0x2  }
0xb8: {  	s3 =	sand.u32 $0x4000, s31;
	s1 =	sadd.s32 s1, s30  }
0xb9: {  	s0 =	sor.u32 s3, s0;
	s1 =	sshll.u32 s1, $0x11  }
0xba: {  	s0 =	sor.u32 s1, s0  }
0xbb: {  	s0 =	sadd.s32 $0x8F2B, s0  }
0xbc: {  	[sflag:s0] =	ssyncadd.remote.s32 $0x1  }
0xbd: {  	_ =	sfence.sel $0xFFFF  }
0xbe: {  	[dreg:$0x0] =	wrdreg $0xFFFFFFFF;
	(pc) =	sbr.abs _section_cstart, $3  }
0xbf: {  	[dreg:$0x1] =	wrdreg $0xFFFFFFFF  }
0xc0: {  	_ =	task.clear_ibuf [dreg:s6], $0x2FFFF;
	_ =	strace $0x9FFFFFFF  }
0xc1: {  	(tm) =	ssettm $0x7FFFFFFF  }
tec
execute0_lowered:
.L_overlay_start_1:
0x0: {  	(tag) =	ssettag $0x1  }
0x1: {  	s4 =	rddreg [dreg:$0x0]  }
0x2: {  	s2 =	srdreg.scid;
	s1 =	stileid.u32  }
0x3: {  	s0 =	rddreg [dreg:$0x1];
	s12 =	simm.s32 $0x4C00;
	s13 =	simm.s32 $0x9800  }
0x4: {  	s14 =	simm.s32 $0xE400;
	s15 =	simm.s32 $0x2;
	s16 =	simm.s32 $0x80  }
0x5: {  	s17 =	simm.s32 $0x400;
	s18 =	simm.s32 $0x3;
	s19 =	simm.s32 $0x0  }
0x6: {  	s5 =	sand.u32 $0x1, s2;
	s3 =	sshll.u32 s1, $0x1;
	s2 =	simm.s32 $0x0  }
0x7: {  	s6 =	sshrl.u32 s1, $0x2;
	s3 =	sor.u32 s5, s3;
	[smem:$0x7FF] =	sst s2  }
0x8: {  	s6 =	smul.u32 $0x26000, s6;
	s5 =	ssub.s32 $0x2, s5;
	s7 =	sshll.u32 s3, $0x7  }
0x9: {  	_ =	strace $0x8000004A;
	s8 =	smul.u32 $0x4C000, s3;
	s7 =	sand.u32 $0x380, s7  }
0xa: {  	s3 =	sadd.s32 $0x130A00, s4;
	s31 =	sshrl.u32 s5, $0x1;
	s6 =	sor.u32 s6, s7  }
0xb: {  	s11 =	ssub.s32 s5, s31;
	s9 =	sshrl.u32 s8, $0x3;
	s6 =	sshrl.u32 s6, $0x3  }
0xc: {  	s5 =	sor.u32 $0x2000, s8;
	s10 =	sadd.s32 s6, s4;
	s4 =	sadd.s32 s3, s9  }
0xd: {  	s6 =	sadd.s32 $0x4000, s8;
	s8 =	smax.u32 s11, $0x1;
	s9 =	simm.s32 $0x13000  }
0xe: {  	v0 =	vimm.f32 $0.0e+00;
	v1 =	vimm.f32 $1.000000000e+00;
	s11 =	simm.s32 $0x15000;
	s7 =	sadd.s32 $0xA00, s10;
	s10 =	simm.s32 $0x1  }
.LBB2_1:
0xf: {  	s21 =	simm.s32 $0x40;
	s20 =	simm.s32 $0x0  }
.LBB2_2:
0x10: {  	p0 =	sne.s32 s21, $0x12FC0;
	[tilespmem:s20+$0xE400] =	vst v0;
	s22 =	smov.u32 s21;
	s21 =	sadd.s32 $0x40, s21  }
.Ltmp0:
0x11: {  	[tilespmem:s20+$0x9800] =	vst v0;
	(pc) =	sbr.rel @p0 .LBB2_2-.Ltmp0, $3  }
0x12: {  	[tilespmem:s20+$0x0] =	vst v0  }
0x13: {  	[tilespmem:s20+$0x4C00] =	vst v0;
	_ =	sdelay $0x1  }
0x14: {  	s20 =	sshra.s32 s22, $0x2  }
0x15: {  	[tilespmem:s20+$0xE400] =	vst v0  }
0x16: {  	[tilespmem:s20+$0x9800] =	vst v0  }
0x17: {  	[tilespmem:s20+$0x0] =	vst v0  }
0x18: {  	[tilespmem:s20+$0x4C00] =	vst v0;
	s20 =	simm.s32 $0x0;
	s21 =	simm.s32 $0x0  }
0x19: {  	[tilespmem:s9], [sflag:$0x1] =	stream.linear.gather [hbm4b:s4+s20], $0x2000, $0x38;
	[tilespmem:$0x17000] =	vst v63  }
.LBB2_4:
0x1a: {  	s22 =	sshll.u32 s21, $0xE  }
0x1b: {  	_ =	swait.ge [sflag:s10], $0x2000;
	s23 =	sadd.s32 s22, s5  }
0x1c: {  	[sflag:s10] =	ssyncset.done $0x0;
	s23 =	sshrl.u32 s23, $0x3  }
0x1d: {  	[sflag:s10] =	ssyncadd.s32 $0xFFFFE000;
	s23 =	sadd.s32 s3, s23  }
0x1e: {  	[tilespmem:s11], [sflag:$0x2] =	stream.linear.gather [hbm4b:s23+s20], $0x2000, $0x38;
	[tilespmem:$0x17000] =	vst v63  }
0x1f: {  	s23 =	simm.s32 $0x0  }
.LBB2_5:
0x20: {  	s24 =	sshra.s32 s23, $0x2  }
0x21: {  	v2 =	vld [tilespmem:s24+$0x13000];
	_ =	sdelay $0x4  }
0x22: {  	v3 =	vand.u32 $0xFFFF, v2  }
0x23: {  	v2 =	vshra.s32 v2, $0x10;
	_ =	sdelay $0x3  }
0x24: {  	[tilespmem:v3+s2+$0x0] =	vst.idx.add.f32.msk $0xffff, v1  }
0x25: {  	[tilespmem:v2+s12+$0x0] =	vst.idx.add.f32.msk $0xffff, v1  }
0x26: {  	v2 =	vld [tilespmem:s24+$0x13010];
	_ =	sdelay $0x4  }
0x27: {  	v3 =	vand.u32 $0xFFFF, v2  }
0x28: {  	v2 =	vshra.s32 v2, $0x10;
	_ =	sdelay $0x3  }
0x29: {  	[tilespmem:v3+s13+$0x0] =	vst.idx.add.f32.msk $0xffff, v1  }
0x2a: {  	[tilespmem:v2+s14+$0x0] =	vst.idx.add.f32.msk $0xffff, v1  }
0x2b: {  	v2 =	vld [tilespmem:s24+$0x13020];
	_ =	sdelay $0x4  }
0x2c: {  	v3 =	vand.u32 $0xFFFF, v2  }
0x2d: {  	v2 =	vshra.s32 v2, $0x10;
	_ =	sdelay $0x3  }
0x2e: {  	[tilespmem:v3+s2+$0x0] =	vst.idx.add.f32.msk $0xffff, v1  }
0x2f: {  	[tilespmem:v2+s12+$0x0] =	vst.idx.add.f32.msk $0xffff, v1  }
0x30: {  	v2 =	vld [tilespmem:s24+$0x13030];
	_ =	sdelay $0x4  }
0x31: {  	v3 =	vand.u32 $0xFFFF, v2  }
0x32: {  	v2 =	vshra.s32 v2, $0x10;
	_ =	sdelay $0x3  }
0x33: {  	[tilespmem:v3+s13+$0x0] =	vst.idx.add.f32.msk $0xffff, v1  }
0x34: {  	[tilespmem:v2+s14+$0x0] =	vst.idx.add.f32.msk $0xffff, v1  }
0x35: {  	v2 =	vld [tilespmem:s24+$0x13040];
	_ =	sdelay $0x4  }
0x36: {  	v3 =	vand.u32 $0xFFFF, v2  }
0x37: {  	v2 =	vshra.s32 v2, $0x10;
	_ =	sdelay $0x3  }
0x38: {  	[tilespmem:v3+s2+$0x0] =	vst.idx.add.f32.msk $0xffff, v1  }
0x39: {  	[tilespmem:v2+s12+$0x0] =	vst.idx.add.f32.msk $0xffff, v1  }
0x3a: {  	v2 =	vld [tilespmem:s24+$0x13050];
	_ =	sdelay $0x4  }
0x3b: {  	v3 =	vand.u32 $0xFFFF, v2  }
0x3c: {  	v2 =	vshra.s32 v2, $0x10;
	_ =	sdelay $0x3  }
0x3d: {  	[tilespmem:v3+s13+$0x0] =	vst.idx.add.f32.msk $0xffff, v1  }
0x3e: {  	[tilespmem:v2+s14+$0x0] =	vst.idx.add.f32.msk $0xffff, v1  }
0x3f: {  	v2 =	vld [tilespmem:s24+$0x13060];
	_ =	sdelay $0x4  }
0x40: {  	v3 =	vand.u32 $0xFFFF, v2  }
0x41: {  	v2 =	vshra.s32 v2, $0x10;
	_ =	sdelay $0x3  }
0x42: {  	[tilespmem:v3+s2+$0x0] =	vst.idx.add.f32.msk $0xffff, v1  }
0x43: {  	[tilespmem:v2+s12+$0x0] =	vst.idx.add.f32.msk $0xffff, v1  }
0x44: {  	v2 =	vld [tilespmem:s24+$0x13070];
	_ =	sdelay $0x4  }
0x45: {  	v3 =	vand.u32 $0xFFFF, v2  }
0x46: {  	p0 =	sne.s32 s23, $0x7E00;
	v2 =	vshra.s32 v2, $0x10  }
.Ltmp1:
0x47: {  	_ = 	snop;
	(pc) =	sbr.rel @p0 .LBB2_5-.Ltmp1, $3  }
0x48: {  	_ =	sdelay $0x1  }
0x49: {  	[tilespmem:v3+s13+$0x0] =	vst.idx.add.f32.msk $0xffff, v1  }
0x4a: {  	s23 =	sadd.s32 $0x200, s23;
	[tilespmem:v2+s14+$0x0] =	vst.idx.add.f32.msk $0xffff, v1  }
0x4b: {  	p0 =	seq.s32 s21, $0x12  }
0x4c: {  	_ =	swait.ge [sflag:s15], $0x2000;
	s22 =	sadd.s32 @!p0 s22, s6  }
0x4d: {  	[sflag:s15] =	ssyncset.done $0x0;
	s23 =	simm.s32 @!p0 $0x0;
	s22 =	sshrl.u32 @!p0 s22, $0x3  }
0x4e: {  	s24 =	simm.s32 @!p0 $0x13000;
	[sflag:s15] =	ssyncadd.s32 $0xFFFFE000;
	s22 =	sadd.s32 @!p0 s3, s22  }
0x4f: {  	[tilespmem:s24], [sflag:$0x1] =	stream.linear.gather @!p0 [hbm4b:s22+s23], $0x2000, $0x38;
	[tilespmem:$0x17000] =	vst v63  }
0x50: {  	s22 =	simm.s32 $0x0  }
.LBB2_7:
0x51: {  	s23 =	sshra.s32 s22, $0x2  }
0x52: {  	v2 =	vld [tilespmem:s23+$0x15000];
	_ =	sdelay $0x4  }
0x53: {  	v3 =	vand.u32 $0xFFFF, v2  }
0x54: {  	v2 =	vshra.s32 v2, $0x10;
	_ =	sdelay $0x3  }
0x55: {  	[tilespmem:v3+s2+$0x0] =	vst.idx.add.f32.msk $0xffff, v1  }
0x56: {  	[tilespmem:v2+s12+$0x0] =	vst.idx.add.f32.msk $0xffff, v1  }
0x57: {  	v2 =	vld [tilespmem:s23+$0x15010];
	_ =	sdelay $0x4  }
0x58: {  	v3 =	vand.u32 $0xFFFF, v2  }
0x59: {  	v2 =	vshra.s32 v2, $0x10;
	_ =	sdelay $0x3  }
0x5a: {  	[tilespmem:v3+s13+$0x0] =	vst.idx.add.f32.msk $0xffff, v1  }
0x5b: {  	[tilespmem:v2+s14+$0x0] =	vst.idx.add.f32.msk $0xffff, v1  }
0x5c: {  	v2 =	vld [tilespmem:s23+$0x15020];
	_ =	sdelay $0x4  }
0x5d: {  	v3 =	vand.u32 $0xFFFF, v2  }
0x5e: {  	v2 =	vshra.s32 v2, $0x10;
	_ =	sdelay $0x3  }
0x5f: {  	[tilespmem:v3+s2+$0x0] =	vst.idx.add.f32.msk $0xffff, v1  }
0x60: {  	[tilespmem:v2+s12+$0x0] =	vst.idx.add.f32.msk $0xffff, v1  }
0x61: {  	v2 =	vld [tilespmem:s23+$0x15030];
	_ =	sdelay $0x4  }
0x62: {  	v3 =	vand.u32 $0xFFFF, v2  }
0x63: {  	v2 =	vshra.s32 v2, $0x10;
	_ =	sdelay $0x3  }
0x64: {  	[tilespmem:v3+s13+$0x0] =	vst.idx.add.f32.msk $0xffff, v1  }
0x65: {  	[tilespmem:v2+s14+$0x0] =	vst.idx.add.f32.msk $0xffff, v1  }
0x66: {  	v2 =	vld [tilespmem:s23+$0x15040];
	_ =	sdelay $0x4  }
0x67: {  	v3 =	vand.u32 $0xFFFF, v2  }
0x68: {  	v2 =	vshra.s32 v2, $0x10;
	_ =	sdelay $0x3  }
0x69: {  	[tilespmem:v3+s2+$0x0] =	vst.idx.add.f32.msk $0xffff, v1  }
0x6a: {  	[tilespmem:v2+s12+$0x0] =	vst.idx.add.f32.msk $0xffff, v1  }
0x6b: {  	v2 =	vld [tilespmem:s23+$0x15050];
	_ =	sdelay $0x4  }
0x6c: {  	v3 =	vand.u32 $0xFFFF, v2  }
0x6d: {  	v2 =	vshra.s32 v2, $0x10;
	_ =	sdelay $0x3  }
0x6e: {  	[tilespmem:v3+s13+$0x0] =	vst.idx.add.f32.msk $0xffff, v1  }
0x6f: {  	[tilespmem:v2+s14+$0x0] =	vst.idx.add.f32.msk $0xffff, v1  }
0x70: {  	v2 =	vld [tilespmem:s23+$0x15060];
	_ =	sdelay $0x4  }
0x71: {  	v3 =	vand.u32 $0xFFFF, v2  }
0x72: {  	v2 =	vshra.s32 v2, $0x10;
	_ =	sdelay $0x3  }
0x73: {  	[tilespmem:v3+s2+$0x0] =	vst.idx.add.f32.msk $0xffff, v1  }
0x74: {  	[tilespmem:v2+s12+$0x0] =	vst.idx.add.f32.msk $0xffff, v1  }
0x75: {  	v2 =	vld [tilespmem:s23+$0x15070];
	_ =	sdelay $0x4  }
0x76: {  	v3 =	vand.u32 $0xFFFF, v2  }
0x77: {  	p0 =	sne.s32 s22, $0x7E00;
	v2 =	vshra.s32 v2, $0x10  }
.Ltmp2:
0x78: {  	_ = 	snop;
	(pc) =	sbr.rel @p0 .LBB2_7-.Ltmp2, $3  }
0x79: {  	_ =	sdelay $0x1  }
0x7a: {  	[tilespmem:v3+s13+$0x0] =	vst.idx.add.f32.msk $0xffff, v1  }
0x7b: {  	s22 =	sadd.s32 $0x200, s22;
	[tilespmem:v2+s14+$0x0] =	vst.idx.add.f32.msk $0xffff, v1  }
0x7c: {  	s21 =	sadd.s32 $0x1, s21  }
0x7d: {  	p0 =	sne.s32 s21, $0x13  }
.Ltmp3:
0x7e: {  	_ = 	snop;
	(pc) =	sbr.rel @p0 .LBB2_4-.Ltmp3, $1  }
0x7f: {  	_ =	sdelay $0x3  }
0x80: {  	s20 =	simm.s32 $0x0  }
0x81: {  	v2 =	vld [tilespmem:s20+$0x4C00]  }
0x82: {  	v3 =	vld [tilespmem:s20+$0x9800]  }
0x83: {  	s21 =	simm.s32 $0x40;
	v4 =	vld [tilespmem:s20+$0xE400]  }
.LBB2_10:
0x84: {  	p0 =	sne.s32 s21, $0x12FC0;
	v5 =	vld [tilespmem:s20+$0x0];
	_ =	sdelay $0x4  }
.Ltmp4:
0x85: {  	v3 =	vadd.f32 v4, v3;
	v5 =	vadd.f32 v2, v5;
	(pc) =	sbr.rel @p0 .LBB2_10-.Ltmp4, $4  }
0x86: {  	s22 =	sshra.s32 s21, $0x2  }
0x87: {  	v2 =	vld [tilespmem:s22+$0x4C00];
	v5 =	vadd.f32 v3, v5  }
0x88: {  	v3 =	vld [tilespmem:s22+$0x9800]  }
0x89: {  	s21 =	sadd.s32 $0x40, s21;
	v4 =	vld [tilespmem:s22+$0xE400];
	[tilespmem:s20+$0x0] =	vst v5;
	s20 =	smov.u32 s22  }
0x8a: {  	v5 =	vld [tilespmem:s20+$0x0];
	_ =	sdelay $0x4  }
0x8b: {  	v3 =	vadd.f32 v4, v3;
	v2 =	vadd.f32 v2, v5;
	_ =	sdelay $0x1  }
0x8c: {  	s19 =	sadd.s32 $0x1, s19;
	v2 =	vadd.f32 v3, v2  }
0x8d: {  	p0 =	sne.s32 s19, s8  }
.Ltmp5:
0x8e: {  	[tilespmem:s20+$0x0] =	vst v2;
	(pc) =	sbr.rel @p0 .LBB2_1-.Ltmp5, $4  }
0x8f: {  	[hbm4b:s7+s16] =	stream.strided.scatter [tilespmem:s2], [sflag:$0x3], $0x4C00, s17, s16, $0x38;
	[tilespmem:$0x17000] =	vst v63  }
0x90: {  	_ =	swait.ge [sflag:s18], $0x4C00  }
0x91: {  	[sflag:s18] =	ssyncset.done $0x0  }
0x92: {  	[sflag:s18] =	ssyncadd.s32 $0xFFFFB400  }
0x93: {  	_ =	sfence.sel $0x180000  }
0x94: {  	[bflag:$0x0] =	sbarrier.arrive $0xFFFF  }
0x95: {  	p0 =	sne.s32 s1, $0x0;
	_ =	strace $0x9000004A  }
0x96: {  	s0 =	sadd.s32 @!p0 $0x100000, s0;
	[bflag:$0x2] =	sbarrier.arrive $0xFFFF  }
0x97: {  	[sflag:s0] =	ssyncadd.tile.s32 @!p0 $0x1;
	_ =	shalt  }
.Lfunc_end2:
_tile_overlayer_lowered:
.L_overlay_start_2:
0x98: {  	(tag) =	ssettag $0x2  }
0x99: {  	s0 =	rddreg [dreg:$0x0];
	s2 =	stileid.u32  }
0x9a: {  	s1 =	rddreg [dreg:$0x1];
	p0 =	sne.s32 s2, $0x0  }
0x9b: {  	s3 =	rddreg [dreg:$0x2];
	[bflag:$0x3] =	sbarrier.arrive $0xFFFF;
	s2 =	simm.s32 @!p0 $0x1C03  }
0x9c: {  	[timem:s3], [sflag:s2] =	dma.local @!p0 [hbm:s0], s1  }
0x9d: {  	s0 =	simm.s32 @!p0 $0x3  }
0x9e: {  	_ =	swait.ge @!p0 [sflag:s0], s1  }
0x9f: {  	s1 =	ssub.s32 @!p0 $0x0, s1;
	[sflag:s0] =	ssyncset.done @!p0 $0x0  }
0xa0: {  	[sflag:s0] =	ssyncadd.s32 @!p0 s1  }
0xa1: {  	[bflag:$0x3] =	sbarrier.arrive $0xFFFF  }
0xa2: {  	_ =	shalt  }

// kernel: sparse-core-data-format-call.cloned.1.call-start
scs
called_computation_lowered:
.L_overlay_start_0:
0x0: {  	s1 =	sld [smem:$0x3FD9]  }
0x1: {  	s2 =	sld [smem:$0x3FFE];
	_ =	sdelay $0x1  }
0x2: {  	s3 =	srdreg.scid  }
0x3: {  	s0 =	sand.u32 $0x1, s3  }
0x4: {  	s17 =	sshll.u32 s0, $0xA;
	s1 =	sadd.s32 s2, s1  }
0x5: {  	s1 =	sadd.s32 s1, s17  }
0x6: {  	[smem:$0x3FC6] =	sst s1  }
0x7: {  	_ = 	snop  }
0x8: {  	(tm) =	ssettm $0x1  }
0x9: {  	s18 =	sld [smem:$0x3FFB];
	_ =	sdelay $0x3  }
0xa: {  	_ =	strace s18  }
0xb: {  	s1 =	sld [smem:$0x3FFC];
	_ =	sdelay $0x3  }
0xc: {  	_ =	strace s1  }
0xd: {  	s1 =	sld [smem:$0x3FFD];
	_ =	sdelay $0x3  }
0xe: {  	_ =	strace s1  }
0xf: {  	_ =	strace $0x8FFFFFFF  }
0x10: {  	s19 =	sld [smem:$0x3FDB];
	_ =	sdelay $0x1  }
0x11: {  	s20 =	simm.s32 $_scs_section_size  }
0x12: {  	s4 =	simm.s32 $_size__tile_overlayer_lowered;
	s5 =	simm.s32 $_tile_overlayer_lowered  }
0x13: {  	s23 =	simm.s32 $0x1BFF;
	s22 =	sshll.u32 s5, $0x1;
	s1 =	sadd.s32 s20, s19  }
0x14: {  	s6 =	simm.s32 $0x0;
	s21 =	sshll.u32 s4, $0x1;
	s4 =	sadd.s32 s22, s1  }
0x15: {  	[timem:s6], [sflag:s23] =	dma.local [hbm:s4], s21  }
0x16: {  	_ =	swait.ge [sflag:s23], s21  }
0x17: {  	s2 =	ssub.s32 $0x0, s21;
	[sflag:s23] =	ssyncset.done $0x0  }
0x18: {  	[sflag:s23] =	ssyncadd.s32 s2;
	_ =	sdelay $0x1  }
0x19: {  	s24 =	simm.s32 $0x1B8B  }
0x1a: {  	_ =	swait.ge [sflag:s24], $0x1  }
0x1b: {  	[sflag:s24] =	ssyncset.done $0x0  }
0x1c: {  	s26 =	simm.s32 $0x1B8E;
	s25 =	sld [smem:$0x3FFE];
	[sflag:s24] =	ssyncadd.s32 $0xFFFFFFFF  }
0x1d: {  	s27 =	simm.s32 $execute0_lowered;
	[smem:$0x3FD2] =	sst s26  }
0x1e: {  	s4 =	sshll.u32 s27, $0x1;
	_ =	strace $0x80000046;
	[dreg:$0x1] =	wrdreg $0xFFFFFFFF  }
0x1f: {  	s28 =	simm.s32 $_size_execute0_lowered;
	s1 =	sadd.s32 s1, s4;
	[dreg:$0x0] =	wrdreg $0x0  }
0x20: {  	s4 =	sshll.u32 s28, $0x1;
	[dreg:$0x2] =	wrdreg s1  }
0x21: {  	[dreg:$0x3] =	wrdreg s4  }
0x22: {  	[dreg:$0x4] =	wrdreg $0xC0  }
0x23: {  	_ =	task [dreg:s6], $0x5FFFF  }
0x24: {  	[dreg:$0x1] =	wrdreg $0xFFFFFFFF  }
0x25: {  	[dreg:$0x0] =	wrdreg $0x60  }
0x26: {  	[dreg:$0x2] =	wrdreg s25  }
0x27: {  	[dreg:$0x3] =	wrdreg $0x9  }
0x28: {  	_ =	task.clear_ibuf [dreg:s6], $0x4FFFF;
	_ =	strace $0x90000046  }
0x29: {  	s29 =	simm.s32 $0x9;
	_ =	strace $0x80000048  }
0x2a: {  	_ =	swait.ge [sflag:s29], $0x1  }
0x2b: {  	[sflag:s29] =	ssyncadd.s32 $0xFFFFFFFF  }
0x2c: {  	_ =	strace $0x90000048  }
0x2d: {  	_ =	sfence  }
0x2e: {  	s30 =	sld [smem:$0x0];
	_ =	sdelay $0x2  }
0x2f: {  	s31 =	sshll.u32 s3, $0xD;
	s3 =	sshrl.u32 s3, $0x2  }
0x30: {  	s2 =	sand.u32 $0x4000, s31;
	s1 =	sadd.s32 s3, s30  }
0x31: {  	s0 =	sor.u32 s2, s0;
	s1 =	sshll.u32 s1, $0x11  }
0x32: {  	s0 =	sor.u32 s1, s0  }
0x33: {  	s0 =	sadd.s32 $0x8F2B, s0  }
0x34: {  	[sflag:s0] =	ssyncadd.remote.s32 $0x1  }
0x35: {  	_ =	sfence.sel $0xFFFF  }
0x36: {  	[dreg:$0x0] =	wrdreg $0xFFFFFFFF;
	(pc) =	sbr.abs _section_cstart, $3  }
0x37: {  	[dreg:$0x1] =	wrdreg $0xFFFFFFFF  }
0x38: {  	_ =	task.clear_ibuf [dreg:s6], $0x2FFFF;
	_ =	strace $0x9FFFFFFF  }
0x39: {  	(tm) =	ssettm $0x7FFFFFFF  }
tec
execute0_lowered:
.L_overlay_start_1:
0x0: {  	(tag) =	ssettag $0x1  }
0x1: {  	s0 =	srdreg.scid  }
0x2: {  	s1 =	sshll.u32 s0, $0x4  }
0x3: {  	s4 =	rddreg [dreg:$0x0];
	s0 =	stileid.u32;
	s1 =	sand.u32 $0x10, s1  }
0x4: {  	s7 =	simm.s32 $0x1;
	s8 =	simm.s32 $0x2;
	s1 =	sor.u32 s0, s1  }
0x5: {  	s9 =	simm.s32 $0x0;
	s12 =	simm.s32 $0x0;
	s2 =	sshll.u32 s1, $0x2  }
0x6: {  	s11 =	simm.s32 $0x0;
	s3 =	sadd.s32 $0xA00, s4;
	s6 =	ssub.s32 $0x980, s2  }
.Ltmp0:
0x7: {  	s4 =	sadd.s32 $0x130A00, s4;
	s5 =	sand.u32 $0x7C, s6;
	(pc) =	sbr.rel .LBB1_1-.Ltmp0, $4  }
0x8: {  	s1 =	rddreg [dreg:$0x1];
	_ =	strace $0x80000047;
	p0 =	sne.s32 s5, $0x0  }
0x9: {  	s6 =	sshrl.u32 s6, $0x7;
	s5 =	simm.s32 $0x1;
	s7 =	simm.s32 @!p0 $0x0  }
0xa: {  	s10 =	smov.u32 s2;
	[sflag:s5] =	ssyncpa.u1 $0x0;
	s6 =	sadd.s32 s7, s6  }
0xb: {  	[sflag:s8] =	ssyncpa.u1 $0x0;
	s8 =	simm.s32 $0x0;
	s7 =	sadd.s32 $0x1, s6  }
.LBB1_9:
0xc: {  	s14 =	sadd.s32 $0x80, s10  }
0xd: {  	p1 =	sgt.s32 s14, $0x97F  }
0xe: {  	s14 =	smov.u32 @p1 s2;
	p1 =	sne.s32 s11, s7  }
.Ltmp1:
0xf: {  	p0 =	slt.u32 s11, $0x2;
	(pc) =	sbr.rel @!p1 .LBB1_10-.Ltmp1, $4  }
0x10: {  	s13 =	simm.s32 @!p0 $0x2  }
0x11: {  	s15 =	sadd.s32 $0x1, s11;
	_ =	swait.ge @!p0 [sflag:s13], $0x4000  }
0x12: {  	s12 =	smov.u32 s10;
	s9 =	sadd.s32 $0x4000, s9;
	[sflag:s13] =	ssyncset.done @!p0 $0x0  }
0x13: {  	s11 =	smov.u32 s15;
	s10 =	smov.u32 s14;
	[sflag:s13] =	ssyncadd.s32 @!p0 $0xFFFFC000  }
.LBB1_1:
0x14: {  	p0 =	sge.u32 s11, s6  }
0x15: {  	s13 =	sxor.u32 @!p0 $0xFFFFFFFF, s11  }
0x16: {  	s31 =	sadd.s32 $0xFFFFFFFF, s11;
	s14 =	sshll.u32 @!p0 s10, $0x9;
	s13 =	sshll.u32 @!p0 s13, $0xE  }
0x17: {  	s15 =	simm.s32 @!p0 $0x0;
	s14 =	sadd.s32 @!p0 s3, s14;
	s13 =	sand.u32 @!p0 $0x4000, s13  }
0x18: {  	[tilespmem:s13], [sflag:$0x1] =	stream.linear.gather @!p0 [hbm4b:s14+s15], $0x4000, $0x38;
	[tilespmem:$0x10000] =	vst v63  }
0x19: {  	p0 =	sge.u32 s31, s6  }
.Ltmp2:
0x1a: {  	_ = 	snop;
	(pc) =	sbr.rel @p0 .LBB1_9-.Ltmp2, $1  }
0x1b: {  	_ =	sdelay $0x3  }
0x1c: {  	s14 =	sand.u32 $0x4000, s9  }
0x1d: {  	_ =	swait.ge [sflag:s5], $0x4000;
	s15 =	sshll.u32 s11, $0xE;
	s16 =	simm.s32 $0x0  }
0x1e: {  	s13 =	sor.u32 $0x40, s14;
	[sflag:s5] =	ssyncset.done $0x0;
	s15 =	sand.u32 $0x4000, s15  }
0x1f: {  	s14 =	sor.u32 $0x8040, s14;
	[sflag:s5] =	ssyncadd.s32 $0xFFFFC000;
	s15 =	sor.u32 $0x8000, s15  }
.LBB1_3:
0x20: {  	s17 =	smov.u32 s14;
	s18 =	smov.u32 s13;
	s19 =	simm.s32 $0x0  }
.LBB1_4:
0x21: {  	v0 =	vmov s17;
	v2 =	vld [tilespmem:s18+$0x30]  }
0x22: {  	v4 =	vld [tilespmem:s18+$0xFFFFFFD0]  }
0x23: {  	v6 =	vld [tilespmem:s18+$0xFFFFFFE0]  }
0x24: {  	v7 =	vld [tilespmem:s18+$0xFFFFFFF0]  }
0x25: {  	s20 =	simm.s32 $0x0;
	v1 =	vld [tilespmem:s18+$0x0]  }
0x26: {  	v3 =	vld [tilespmem:s18+$0x10];
	[tilespmem:v0+s20+$0x30 ss:$0x1] =	vst.idx.msk $0xffff, v2  }
0x27: {  	v5 =	vld [tilespmem:s18+$0x20];
	[tilespmem:v0+s20+$0xFFFFFFD0 ss:$0x1] =	vst.idx.msk $0xffff, v4  }
0x28: {  	s21 =	sadd.s32 $0x80, s18;
	v2 =	vld [tilespmem:s18+$0xFFFFFFC0];
	[tilespmem:v0+s20+$0xFFFFFFE0 ss:$0x1] =	vst.idx.msk $0xffff, v6  }
0x29: {  	s22 =	simm.s32 $0x800;
	s23 =	simm.s32 $0x1000;
	v4 =	vld [tilespmem:s21+$0x30];
	[tilespmem:v0+s20+$0xFFFFFFF0 ss:$0x1] =	vst.idx.msk $0xffff, v7  }
.LBB1_5:
0x2a: {  	p0 =	sne.s32 s23, $0x3800;
	v6 =	vld [tilespmem:s21+$0xFFFFFFD0];
	[tilespmem:v0+s20+$0x0 ss:$0x1] =	vst.idx.msk $0xffff, v1  }
0x2b: {  	v7 =	vld [tilespmem:s21+$0xFFFFFFE0];
	[tilespmem:v0+s20+$0x10 ss:$0x1] =	vst.idx.msk $0xffff, v3  }
0x2c: {  	v8 =	vld [tilespmem:s21+$0xFFFFFFF0];
	[tilespmem:v0+s20+$0x20 ss:$0x1] =	vst.idx.msk $0xffff, v5  }
.Ltmp3:
0x2d: {  	v1 =	vld [tilespmem:s21+$0x0];
	[tilespmem:v0+s20+$0xFFFFFFC0 ss:$0x1] =	vst.idx.msk $0xffff, v2;
	s20 =	sshra.s32 s22, $0x2;
	s22 =	smov.u32 s23;
	(pc) =	sbr.rel @p0 .LBB1_5-.Ltmp3, $4  }
0x2e: {  	v3 =	vld [tilespmem:s21+$0x10];
	[tilespmem:v0+s20+$0x30 ss:$0x1] =	vst.idx.msk $0xffff, v4  }
0x2f: {  	[tilespmem:v0+s20+$0xFFFFFFD0 ss:$0x1] =	vst.idx.msk $0xffff, v6;
	v5 =	vld [tilespmem:s21+$0x20]  }
0x30: {  	v2 =	vld [tilespmem:s21+$0xFFFFFFC0];
	[tilespmem:v0+s20+$0xFFFFFFE0 ss:$0x1] =	vst.idx.msk $0xffff, v7;
	s21 =	sadd.s32 $0x80, s21  }
0x31: {  	s23 =	sadd.s32 $0x800, s23;
	v4 =	vld [tilespmem:s21+$0x30];
	[tilespmem:v0+s20+$0xFFFFFFF0 ss:$0x1] =	vst.idx.msk $0xffff, v8  }
0x32: {  	_ =	sdelay $0x3  }
0x33: {  	v6 =	vld [tilespmem:s21+$0xFFFFFFD0];
	[tilespmem:v0+s20+$0x0 ss:$0x1] =	vst.idx.msk $0xffff, v1  }
0x34: {  	v58 =	vld [tilespmem:s21+$0xFFFFFFE0];
	[tilespmem:v0+s20+$0x10 ss:$0x1] =	vst.idx.msk $0xffff, v3  }
0x35: {  	v59 =	vld [tilespmem:s21+$0xFFFFFFF0];
	[tilespmem:v0+s20+$0x20 ss:$0x1] =	vst.idx.msk $0xffff, v5  }
0x36: {  	s22 =	sshra.s32 s22, $0x2;
	v60 =	vld [tilespmem:s21+$0x0];
	[tilespmem:v0+s20+$0xFFFFFFC0 ss:$0x1] =	vst.idx.msk $0xffff, v2  }
0x37: {  	v61 =	vld [tilespmem:s21+$0x10];
	[tilespmem:v0+s22+$0x30 ss:$0x1] =	vst.idx.msk $0xffff, v4  }
0x38: {  	v62 =	vld [tilespmem:s21+$0x20];
	s19 =	sadd.s32 $0x1, s19;
	[tilespmem:v0+s22+$0xFFFFFFD0 ss:$0x1] =	vst.idx.msk $0xffff, v6  }
0x39: {  	v63 =	vld [tilespmem:s21+$0xFFFFFFC0];
	p0 =	sne.s32 s19, $0x4;
	[tilespmem:v0+s22+$0xFFFFFFE0 ss:$0x1] =	vst.idx.msk $0xffff, v58  }
.Ltmp4:
0x3a: {  	[tilespmem:v0+s22+$0xFFFFFFF0 ss:$0x1] =	vst.idx.msk $0xffff, v59;
	(pc) =	sbr.rel @p0 .LBB1_4-.Ltmp4, $4  }
0x3b: {  	[tilespmem:v0+s22+$0x0 ss:$0x1] =	vst.idx.msk $0xffff, v60  }
0x3c: {  	[tilespmem:v0+s22+$0x10 ss:$0x1] =	vst.idx.msk $0xffff, v61  }
0x3d: {  	[tilespmem:v0+s22+$0x20 ss:$0x1] =	vst.idx.msk $0xffff, v62  }
0x3e: {  	s18 =	sadd.s32 $0x400, s18;
	s17 =	sadd.s32 $0x80, s17;
	[tilespmem:v0+s22+$0xFFFFFFC0 ss:$0x1] =	vst.idx.msk $0xffff, v63  }
0x3f: {  	s16 =	sadd.s32 $0x1, s16  }
0x40: {  	p0 =	sne.s32 s16, $0x4  }
.Ltmp5:
0x41: {  	_ = 	snop;
	(pc) =	sbr.rel @p0 .LBB1_3-.Ltmp5, $2  }
0x42: {  	_ =	sdelay $0x2  }
0x43: {  	s13 =	sadd.s32 $0x1000, s13;
	s14 =	sadd.s32 $0x1000, s14  }
.Ltmp6:
0x44: {  	(pc) =	sbr.rel .LBB1_9-.Ltmp6, $4  }
0x45: {  	_ = 	snop  }
0x46: {  	s12 =	sshll.u32 s12, $0x9  }
0x47: {  	s12 =	sadd.s32 s4, s12  }
0x48: {  	[hbm4b:s12+s8] =	stream.linear.scatter [tilespmem:s15], [sflag:$0x2], $0x4000, $0x38;
	[tilespmem:$0x10000] =	vst v63  }
.LBB1_10:
0x49: {  	_ =	sfence.sel $0x180000  }
0x4a: {  	s2 =	simm.s32 $0x1;
	[bflag:$0x0] =	sbarrier.arrive $0xFFFF  }
0x4b: {  	s31 =	simm.s32 $0x2;
	[sflag:s2] =	ssyncpa.u1 $0x1  }
0x4c: {  	[sflag:s31] =	ssyncpa.u1 $0x1  }
0x4d: {  	p0 =	sne.s32 s0, $0x0;
	_ =	strace $0x90000047  }
0x4e: {  	s0 =	sadd.s32 @!p0 $0x100000, s1;
	[bflag:$0x2] =	sbarrier.arrive $0xFFFF  }
0x4f: {  	[sflag:s0] =	ssyncadd.tile.s32 @!p0 $0x1;
	_ =	shalt  }
.Lfunc_end1:
_tile_overlayer_lowered:
.L_overlay_start_2:
0x50: {  	(tag) =	ssettag $0x2  }
0x51: {  	s0 =	rddreg [dreg:$0x0];
	s2 =	stileid.u32  }
0x52: {  	s1 =	rddreg [dreg:$0x1];
	p0 =	sne.s32 s2, $0x0  }
0x53: {  	s3 =	rddreg [dreg:$0x2];
	[bflag:$0x3] =	sbarrier.arrive $0xFFFF;
	s2 =	simm.s32 @!p0 $0x1C01  }
0x54: {  	[timem:s3], [sflag:s2] =	dma.local @!p0 [hbm:s0], s1  }
0x55: {  	s0 =	simm.s32 @!p0 $0x1  }
0x56: {  	_ =	swait.ge @!p0 [sflag:s0], s1  }
0x57: {  	s1 =	ssub.s32 @!p0 $0x0, s1;
	[sflag:s0] =	ssyncset.done @!p0 $0x0  }
0x58: {  	[sflag:s0] =	ssyncadd.s32 @!p0 s1  }
0x59: {  	[bflag:$0x3] =	sbarrier.arrive $0xFFFF  }
0x5a: {  	_ =	shalt  }

</sc_bundles>
